<compile_context>
chip_gen: v7x
topology: tpu7x:2x2x1
jax: 0.10.2.dev20260603
libtpu: 0.0.44.dev20260713+nightly
codegen_flags: <defaults>
</compile_context>

<pallas_src>
import jax
import jax.numpy as jnp
from jax.experimental import pallas as pl
from jax.experimental.pallas import tpu as pltpu
from jax.experimental.pallas import tpu_sc as plsc

S = 2050
SP = 2176
D = 1024
H = 16
DH = D // H
FF = 4096
EOS_TOK = 2
BS = 128

f32 = jnp.float32
bf16 = jnp.bfloat16


RPT = 72
RPT2 = 40
CUT = 28 * RPT


def _gather_rows_sc(table, text):
    mesh = plsc.VectorSubcoreMesh(core_axis_name="c", subcore_axis_name="s")

    @pl.kernel(
        out_type=jax.ShapeDtypeStruct((SP, D), table.dtype),
        mesh=mesh,
        scratch_types=[
            pltpu.VMEM((RPT,), jnp.int32),
            pltpu.VMEM((RPT, D), f32),
            pltpu.SemaphoreType.DMA,
        ],
    )
    def gather_kernel(tab_hbm, text_hbm, emb_hbm, idx_v, rows_v, sem):
        wid = jax.lax.axis_index("s") * 2 + jax.lax.axis_index("c")

        @pl.when(wid < 28)
        def _():
            base = wid * RPT
            pltpu.sync_copy(text_hbm.at[pl.ds(base, RPT)], idx_v)
            pltpu.async_copy(tab_hbm.at[idx_v], rows_v, sem).wait()
            pltpu.sync_copy(rows_v, emb_hbm.at[pl.ds(base, RPT)])

        @pl.when(wid >= 28)
        def _():
            base = CUT + (wid - 28) * RPT2
            idx2 = idx_v.at[pl.ds(0, RPT2)]
            rows2 = rows_v.at[pl.ds(0, RPT2)]
            pltpu.sync_copy(text_hbm.at[pl.ds(base, RPT2)], idx2)
            pltpu.async_copy(tab_hbm.at[idx2], rows2, sem).wait()
            pltpu.sync_copy(rows2, emb_hbm.at[pl.ds(base, RPT2)])

    return gather_kernel(table, text)


def _ln_block(x, g, b):
    m = jnp.mean(x, axis=-1, keepdims=True)
    v = jnp.mean((x - m) ** 2, axis=-1, keepdims=True)
    return (x - m) * jax.lax.rsqrt(v + 1e-5) * g + b


SCALE = 1.4426950408889634 / 8.0


def _qkv_body(x_ref, wq_ref, wk_ref, wv_ref, g_ref, b_ref,
              q_ref, kt_ref, v_ref, ws_ref):
    i = pl.program_id(0)

    @pl.when(i == 0)
    def _():
        ws_ref[:, :D] = wq_ref[...].astype(bf16)
        ws_ref[:, D:2 * D] = wk_ref[...].astype(bf16)
        ws_ref[:, 2 * D:] = wv_ref[...].astype(bf16)

    h = _ln_block(x_ref[...], g_ref[...], b_ref[...]).astype(bf16)
    qq = jnp.dot(h, ws_ref[:, :D], preferred_element_type=f32).astype(bf16)
    q_ref[...] = qq * SCALE
    kk = jnp.dot(h, ws_ref[:, D:2 * D],
                 preferred_element_type=f32).astype(bf16)
    kt_ref[...] = kk.T
    vv = jnp.dot(h, ws_ref[:, 2 * D:],
                 preferred_element_type=f32).astype(bf16)
    row = i * BS + jax.lax.broadcasted_iota(jnp.int32, (BS, 1, 1), 0)
    m3 = (row < S).astype(bf16)
    v3 = vv.reshape(BS, H, DH)
    va = jnp.concatenate(
        [v3 * m3, jnp.broadcast_to(m3, (BS, H, DH))], axis=2
    )
    v_ref[...] = va.reshape(BS, 2 * D)


def _qkv_tc(x, wq, wk, wv, g1, b1):
    return pl.pallas_call(
        _qkv_body,
        grid=(SP // BS,),
        in_specs=[
            pl.BlockSpec((BS, D), lambda i: (i, 0)),
            pl.BlockSpec((D, D), lambda i: (0, 0)),
            pl.BlockSpec((D, D), lambda i: (0, 0)),
            pl.BlockSpec((D, D), lambda i: (0, 0)),
            pl.BlockSpec((1, D), lambda i: (0, 0)),
            pl.BlockSpec((1, D), lambda i: (0, 0)),
        ],
        out_specs=[
            pl.BlockSpec((BS, D), lambda i: (i, 0)),
            pl.BlockSpec((D, BS), lambda i: (0, i)),
            pl.BlockSpec((BS, 2 * D), lambda i: (i, 0)),
        ],
        out_shape=[
            jax.ShapeDtypeStruct((SP, D), bf16),
            jax.ShapeDtypeStruct((D, SP), bf16),
            jax.ShapeDtypeStruct((SP, 2 * D), bf16),
        ],
        scratch_shapes=[pltpu.VMEM((D, 3 * D), bf16)],
    )(x, wq, wk, wv, g1, b1)


BSQ = 1088
HPB = 4
BSF = 544


def _attn_body(q_ref, kt_ref, v_ref, wof_ref, w1f_ref, w2f_ref,
               o_ref, wob_ref, w1b_ref, w2b_ref):
    wob_ref[...] = wof_ref[...].astype(bf16)
    w1b_ref[...] = w1f_ref[...].astype(bf16)
    w2b_ref[...] = w2f_ref[...].astype(bf16)
    for j in range(HPB):
        q = q_ref[:, j * DH:(j + 1) * DH]
        kt = kt_ref[j * DH:(j + 1) * DH, :]
        va = v_ref[:, j * 2 * DH:(j + 1) * 2 * DH]
        s = jnp.dot(q, kt, preferred_element_type=f32)
        p = jnp.exp2(s.astype(bf16))
        ol = jnp.dot(p, va, preferred_element_type=f32)
        o_ref[:, j * DH:(j + 1) * DH] = (
            ol[:, :DH] / ol[:, DH:DH + 1]
        ).astype(bf16)


NST = (H // HPB) * (SP // BSQ)


def _attn_tc(q, kt, v, wo, w1, w2):
    return pl.pallas_call(
        _attn_body,
        grid=(H // HPB, SP // BSQ),
        in_specs=[
            pl.BlockSpec((BSQ, HPB * DH), lambda h, i: (i, h)),
            pl.BlockSpec((HPB * DH, SP), lambda h, i: (h, 0)),
            pl.BlockSpec((SP, 2 * HPB * DH), lambda h, i: (0, h)),
            pl.BlockSpec((D // NST, D), lambda h, i: (2 * h + i, 0)),
            pl.BlockSpec((D // NST, FF), lambda h, i: (2 * h + i, 0)),
            pl.BlockSpec((FF // NST, D), lambda h, i: (2 * h + i, 0)),
        ],
        out_specs=[
            pl.BlockSpec((BSQ, HPB * DH), lambda h, i: (i, h)),
            pl.BlockSpec((D // NST, D), lambda h, i: (2 * h + i, 0)),
            pl.BlockSpec((D // NST, FF), lambda h, i: (2 * h + i, 0)),
            pl.BlockSpec((FF // NST, D), lambda h, i: (2 * h + i, 0)),
        ],
        out_shape=[
            jax.ShapeDtypeStruct((SP, D), bf16),
            jax.ShapeDtypeStruct((D, D), bf16),
            jax.ShapeDtypeStruct((D, FF), bf16),
            jax.ShapeDtypeStruct((FF, D), bf16),
        ],
    )(q, kt, v, wo, w1, w2)


def _ffn_body(x_ref, a_ref, wo_ref, w1_ref, w2_ref, g_ref, b_ref,
              o_ref, t_ref):
    t_ref[...] = x_ref[...]
    x1 = x_ref[...] + jnp.dot(
        a_ref[...], wo_ref[...], preferred_element_type=f32
    )
    h2 = _ln_block(x1, g_ref[...], b_ref[...])
    f = jax.nn.gelu(
        jnp.dot(h2.astype(bf16), w1_ref[...],
                preferred_element_type=f32).astype(bf16)
    )
    o_ref[...] = x1 + jnp.dot(
        f, w2_ref[...], preferred_element_type=f32
    )


def _ffn_tc(x, attn, wo, w1, w2, g2, b2):
    return pl.pallas_call(
        _ffn_body,
        grid=(SP // BSF,),
        in_specs=[
            pl.BlockSpec((BSF, D), lambda i: (i, 0)),
            pl.BlockSpec((BSF, D), lambda i: (i, 0)),
            pl.BlockSpec((D, D), lambda i: (0, 0)),
            pl.BlockSpec((D, FF), lambda i: (0, 0)),
            pl.BlockSpec((FF, D), lambda i: (0, 0)),
            pl.BlockSpec((1, D), lambda i: (0, 0)),
            pl.BlockSpec((1, D), lambda i: (0, 0)),
        ],
        out_specs=[
            pl.BlockSpec((BSF, D), lambda i: (i, 0)),
            pl.BlockSpec((BSF, D), lambda i: (i, 0)),
        ],
        out_shape=[
            jax.ShapeDtypeStruct((S, D), f32),
            jax.ShapeDtypeStruct((S, D), f32),
        ],
    )(x, attn, wo, w1, w2, g2, b2)


def kernel(source, emb_table, Wq, Wk, Wv, Wo, W1, W2, g1, b1, g2, b2):
    Bx = source.shape[0]
    eos = jnp.full((Bx, 1), EOS_TOK, dtype=source.dtype)
    pad = jnp.zeros((Bx, SP - S), dtype=source.dtype)
    text = jnp.concatenate([eos, source, eos, pad], axis=1).astype(jnp.int32)

    emb = _gather_rows_sc(emb_table, text.reshape(SP))

    q, kt, v = _qkv_tc(emb, Wq.astype(bf16), Wk.astype(bf16),
                       Wv.astype(bf16), g1.reshape(1, D), b1.reshape(1, D))
    attn, wob, w1b, w2b = _attn_tc(q, kt, v, Wo, W1, W2)
    out, tgt2 = _ffn_tc(emb, attn, wob, w1b, w2b,
                        g2.reshape(1, D), b2.reshape(1, D))
    return (tgt2.reshape(Bx, S, D), out.reshape(Bx, S, D))

# --- scband reference (transcript-rebuilt; emitter-appended) ---
"""Pipeline reference for scband-code-layer-14216341749835 (READ-ONLY COPY).

The authoritative reference and input builder live on the scoring server;
editing this copy changes nothing except your own understanding.
"""

import jax, jax.numpy as jnp
import numpy as np

B = 1
L = 2048
D = 1024
V = 50257
H = 16
DH = D // H
FF = 4096
EOS = 2


def setup_inputs(seed: int = 0) -> dict:
    key = jax.random.key(seed)
    ks = jax.random.split(key, 8)
    source = jax.random.randint(ks[0], (B, L), 0, V)
    emb_table = 0.02 * jax.random.normal(ks[1], (V, D), dtype=jnp.float32)
    Wq = 0.02 * jax.random.normal(ks[2], (D, D), dtype=jnp.float32)
    Wk = 0.02 * jax.random.normal(ks[3], (D, D), dtype=jnp.float32)
    Wv = 0.02 * jax.random.normal(ks[4], (D, D), dtype=jnp.float32)
    Wo = 0.02 * jax.random.normal(ks[5], (D, D), dtype=jnp.float32)
    W1 = 0.02 * jax.random.normal(ks[6], (D, FF), dtype=jnp.float32)
    W2 = 0.02 * jax.random.normal(ks[7], (FF, D), dtype=jnp.float32)
    g1 = jnp.ones((D,), dtype=jnp.float32)
    b1 = jnp.zeros((D,), dtype=jnp.float32)
    g2 = jnp.ones((D,), dtype=jnp.float32)
    b2 = jnp.zeros((D,), dtype=jnp.float32)
    return {"source": source, "emb_table": emb_table, "Wq": Wq, "Wk": Wk, "Wv": Wv, "Wo": Wo, "W1": W1, "W2": W2, "g1": g1, "b1": b1, "g2": g2, "b2": b2}


def _ln(x, g, b):
    m = jnp.mean(x, axis=-1, keepdims=True)
    v = jnp.var(x, axis=-1, keepdims=True)
    return (x - m) / jnp.sqrt(v + 1e-5) * g + b


def _encoder(x, Wq, Wk, Wv, Wo, W1, W2, g1, b1, g2, b2):
    Bx, S, Dx = x.shape
    h = _ln(x, g1, b1)
    q = (h @ Wq).reshape(Bx, S, H, DH).transpose(0, 2, 1, 3)
    k = (h @ Wk).reshape(Bx, S, H, DH).transpose(0, 2, 1, 3)
    v = (h @ Wv).reshape(Bx, S, H, DH).transpose(0, 2, 1, 3)
    scores = jnp.einsum('bhqd,bhkd->bhqk', q, k) / np.sqrt(DH)
    a = jax.nn.softmax(scores, axis=-1)
    o = jnp.einsum('bhqk,bhkd->bhqd', a, v).transpose(0, 2, 1, 3).reshape(Bx, S, Dx)
    x = x + o @ Wo
    h2 = _ln(x, g2, b2)
    x = x + jax.nn.gelu(h2 @ W1) @ W2
    return x


def reference(source, emb_table, Wq, Wk, Wv, Wo, W1, W2, g1, b1, g2, b2):
    # CodeLayer.forward: prepend/append EOS token, embed, encode
    eos = jnp.full((source.shape[0], 1), EOS, dtype=source.dtype)
    text = jnp.concatenate([eos, source, eos], axis=1)
    emb = jnp.take(emb_table, text, axis=0)  # embedding lookup -> 'tgt'
    tgt = emb
    memory = _encoder(emb, Wq, Wk, Wv, Wo, W1, W2, g1, b1, g2, b2)  # code_encoder -> 'memory'
    return (tgt, memory)

if __name__ == "__main__":
    import jax
    _d = setup_inputs()
    print(jax.jit(kernel)(*tuple(_d.values())))

</pallas_src>

<mosaic_0001>
#map = affine_map<(d0, d1) -> (0, 0)>
#map1 = affine_map<(d0, d1) -> (0)>
module attributes {stable_mosaic.version = 14 : i64} {
  func.func @gather_kernel(%arg0: i32, %arg1: i32, %arg2: memref<50257x1024xf32, #tpu.memory_space<hbm>>, %arg3: memref<2176xi32, #tpu.memory_space<hbm>>, %arg4: memref<2176x1024xf32, #tpu.memory_space<hbm>>, %arg5: memref<72xi32, #tpu.memory_space<vmem>>, %arg6: memref<72x1024xf32, #tpu.memory_space<vmem>>, %arg7: memref<!tpu.dma_semaphore, #tpu.memory_space<semaphore_mem>>) attributes {dimension_semantics = [#tpu.dimension_semantics<core_parallel>, #tpu.dimension_semantics<subcore_parallel>], iteration_bounds = array<i64: 2, 16>, scalar_prefetch = 0 : i64, scratch_operands = 3 : i64, tpu.core_type = #tpu.core_type<sc_vector_subcore>, window_params = [{transform_indices = #map}, {transform_indices = #map1}, {transform_indices = #map}]} {
    %mul3A = arith.constant 2 : i32
    %mul3A_0 = arith.muli %arg1, %mul3A : i32
    %add3A = arith.addi %mul3A_0, %arg0 : i32
    %lt3A = arith.constant 28 : i32
    %lt3A_1 = arith.cmpi slt, %add3A, %lt3A : i32
    %convert_element_type3A = arith.extui %lt3A_1 : i1 to i32
    %cond3A = arith.constant 0 : i32
    %cond3A_2 = arith.cmpi ne, %convert_element_type3A, %cond3A : i32
    scf.if %cond3A_2 {
      %mul3A_7 = arith.constant 72 : i32
      %mul3A_8 = arith.muli %add3A, %mul3A_7 : i32
      "tpu.region"() ({
        %run_scoped3A = tpu.sem_alloc : memref<!tpu.dma_semaphore, #tpu.memory_space<semaphore_mem>>
        %dma_start3A_13 = tpu.memref_slice %arg3[%mul3A_8] : memref<2176xi32, #tpu.memory_space<hbm>> -> memref<72xi32, #tpu.memory_space<hbm>>
        %dma_start3A_14 = tpu.memref_slice %arg3[%mul3A_8] : memref<2176xi32, #tpu.memory_space<hbm>> -> memref<72xi32, #tpu.memory_space<hbm>>
        tpu.enqueue_dma source(%dma_start3A_14 : memref<72xi32, #tpu.memory_space<hbm>>) target(%arg5 : memref<72xi32, #tpu.memory_space<vmem>>) target_semaphore(%run_scoped3A : memref<!tpu.dma_semaphore, #tpu.memory_space<semaphore_mem>>)
        %dma_wait3A_15 = tpu.memref_slice %arg3[%mul3A_8] : memref<2176xi32, #tpu.memory_space<hbm>> -> memref<72xi32, #tpu.memory_space<hbm>>
        %dma_wait3A_16 = tpu.memref_slice %arg3[%mul3A_8] : memref<2176xi32, #tpu.memory_space<hbm>> -> memref<72xi32, #tpu.memory_space<hbm>>
        tpu.wait_dma2 semaphore(%run_scoped3A : memref<!tpu.dma_semaphore, #tpu.memory_space<semaphore_mem>>) src(%dma_wait3A_16 : memref<72xi32, #tpu.memory_space<hbm>>) dst(%arg5 : memref<72xi32, #tpu.memory_space<vmem>>)
        tpu.yield
      }) : () -> ()
      %dma_start3A = arith.constant 0 : i32
      %dma_start3A_9 = arith.constant 0 : i32
      %dma_start3A_10 = tpu.memref_slice %arg2[%dma_start3A, %dma_start3A_9] : memref<50257x1024xf32, #tpu.memory_space<hbm>> -> memref<50257x1024xf32, #tpu.memory_space<hbm>>
      tpu.enqueue_indirect_dma source(%dma_start3A_10 : memref<50257x1024xf32, #tpu.memory_space<hbm>>) target(%arg6 : memref<72x1024xf32, #tpu.memory_space<vmem>>) offsets(%arg5 : memref<72xi32, #tpu.memory_space<vmem>>) semaphore(%arg7 : memref<!tpu.dma_semaphore, #tpu.memory_space<semaphore_mem>>)
      %dma_wait3A = arith.constant 0 : i32
      %dma_wait3A_11 = arith.constant 0 : i32
      %dma_wait3A_12 = tpu.memref_slice %arg2[%dma_wait3A, %dma_wait3A_11] : memref<50257x1024xf32, #tpu.memory_space<hbm>> -> memref<50257x1024xf32, #tpu.memory_space<hbm>>
      tpu.wait_indirect_dma semaphore(%arg7 : memref<!tpu.dma_semaphore, #tpu.memory_space<semaphore_mem>>) src(%dma_wait3A_12 : memref<50257x1024xf32, #tpu.memory_space<hbm>>) dst(%arg6 : memref<72x1024xf32, #tpu.memory_space<vmem>>)
      "tpu.region"() ({
        %run_scoped3A = tpu.sem_alloc : memref<!tpu.dma_semaphore, #tpu.memory_space<semaphore_mem>>
        %dma_start3A_13 = arith.constant 0 : i32
        %dma_start3A_14 = tpu.memref_slice %arg4[%mul3A_8, %dma_start3A_13] : memref<2176x1024xf32, #tpu.memory_space<hbm>> -> memref<72x1024xf32, #tpu.memory_space<hbm>>
        %dma_start3A_15 = arith.constant 0 : i32
        %dma_start3A_16 = tpu.memref_slice %arg4[%mul3A_8, %dma_start3A_15] : memref<2176x1024xf32, #tpu.memory_space<hbm>> -> memref<72x1024xf32, #tpu.memory_space<hbm>>
        tpu.enqueue_dma source(%arg6 : memref<72x1024xf32, #tpu.memory_space<vmem>>) target(%dma_start3A_16 : memref<72x1024xf32, #tpu.memory_space<hbm>>) target_semaphore(%run_scoped3A : memref<!tpu.dma_semaphore, #tpu.memory_space<semaphore_mem>>)
        %dma_wait3A_17 = arith.constant 0 : i32
        %dma_wait3A_18 = tpu.memref_slice %arg4[%mul3A_8, %dma_wait3A_17] : memref<2176x1024xf32, #tpu.memory_space<hbm>> -> memref<72x1024xf32, #tpu.memory_space<hbm>>
        %dma_wait3A_19 = arith.constant 0 : i32
        %dma_wait3A_20 = tpu.memref_slice %arg4[%mul3A_8, %dma_wait3A_19] : memref<2176x1024xf32, #tpu.memory_space<hbm>> -> memref<72x1024xf32, #tpu.memory_space<hbm>>
        tpu.wait_dma2 semaphore(%run_scoped3A : memref<!tpu.dma_semaphore, #tpu.memory_space<semaphore_mem>>) src(%arg6 : memref<72x1024xf32, #tpu.memory_space<vmem>>) dst(%dma_wait3A_20 : memref<72x1024xf32, #tpu.memory_space<hbm>>)
        tpu.yield
      }) : () -> ()
    } else {
    }
    %ge3A = arith.constant 28 : i32
    %ge3A_3 = arith.cmpi sge, %add3A, %ge3A : i32
    %convert_element_type3A_4 = arith.extui %ge3A_3 : i1 to i32
    %cond3A_5 = arith.constant 0 : i32
    %cond3A_6 = arith.cmpi ne, %convert_element_type3A_4, %cond3A_5 : i32
    scf.if %cond3A_6 {
      %sub3A = arith.constant 28 : i32
      %sub3A_7 = arith.subi %add3A, %sub3A : i32
      %mul3A_8 = arith.constant 40 : i32
      %mul3A_9 = arith.muli %sub3A_7, %mul3A_8 : i32
      %add3A_10 = arith.constant 2016 : i32
      %add3A_11 = arith.addi %add3A_10, %mul3A_9 : i32
      "tpu.region"() ({
        %run_scoped3A = tpu.sem_alloc : memref<!tpu.dma_semaphore, #tpu.memory_space<semaphore_mem>>
        %dma_start3A_26 = arith.constant 0 : i32
        %dma_start3A_27 = tpu.memref_slice %arg5[%dma_start3A_26] : memref<72xi32, #tpu.memory_space<vmem>> -> memref<40xi32, #tpu.memory_space<vmem>>
        %dma_start3A_28 = tpu.memref_slice %arg3[%add3A_11] : memref<2176xi32, #tpu.memory_space<hbm>> -> memref<40xi32, #tpu.memory_space<hbm>>
        %dma_start3A_29 = arith.constant 0 : i32
        %dma_start3A_30 = tpu.memref_slice %arg5[%dma_start3A_29] : memref<72xi32, #tpu.memory_space<vmem>> -> memref<40xi32, #tpu.memory_space<vmem>>
        %dma_start3A_31 = tpu.memref_slice %arg3[%add3A_11] : memref<2176xi32, #tpu.memory_space<hbm>> -> memref<40xi32, #tpu.memory_space<hbm>>
        tpu.enqueue_dma source(%dma_start3A_31 : memref<40xi32, #tpu.memory_space<hbm>>) target(%dma_start3A_30 : memref<40xi32, #tpu.memory_space<vmem>>) target_semaphore(%run_scoped3A : memref<!tpu.dma_semaphore, #tpu.memory_space<semaphore_mem>>)
        %dma_wait3A_32 = arith.constant 0 : i32
        %dma_wait3A_33 = tpu.memref_slice %arg5[%dma_wait3A_32] : memref<72xi32, #tpu.memory_space<vmem>> -> memref<40xi32, #tpu.memory_space<vmem>>
        %dma_wait3A_34 = tpu.memref_slice %arg3[%add3A_11] : memref<2176xi32, #tpu.memory_space<hbm>> -> memref<40xi32, #tpu.memory_space<hbm>>
        %dma_wait3A_35 = arith.constant 0 : i32
        %dma_wait3A_36 = tpu.memref_slice %arg5[%dma_wait3A_35] : memref<72xi32, #tpu.memory_space<vmem>> -> memref<40xi32, #tpu.memory_space<vmem>>
        %dma_wait3A_37 = tpu.memref_slice %arg3[%add3A_11] : memref<2176xi32, #tpu.memory_space<hbm>> -> memref<40xi32, #tpu.memory_space<hbm>>
        tpu.wait_dma2 semaphore(%run_scoped3A : memref<!tpu.dma_semaphore, #tpu.memory_space<semaphore_mem>>) src(%dma_wait3A_37 : memref<40xi32, #tpu.memory_space<hbm>>) dst(%dma_wait3A_36 : memref<40xi32, #tpu.memory_space<vmem>>)
        tpu.yield
      }) : () -> ()
      %dma_start3A = arith.constant 0 : i32
      %dma_start3A_12 = arith.constant 0 : i32
      %dma_start3A_13 = tpu.memref_slice %arg6[%dma_start3A, %dma_start3A_12] : memref<72x1024xf32, #tpu.memory_space<vmem>> -> memref<40x1024xf32, #tpu.memory_space<vmem>>
      %dma_start3A_14 = arith.constant 0 : i32
      %dma_start3A_15 = tpu.memref_slice %arg5[%dma_start3A_14] : memref<72xi32, #tpu.memory_space<vmem>> -> memref<40xi32, #tpu.memory_space<vmem>>
      %dma_start3A_16 = arith.constant 0 : i32
      %dma_start3A_17 = arith.constant 0 : i32
      %dma_start3A_18 = tpu.memref_slice %arg2[%dma_start3A_16, %dma_start3A_17] : memref<50257x1024xf32, #tpu.memory_space<hbm>> -> memref<50257x1024xf32, #tpu.memory_space<hbm>>
      tpu.enqueue_indirect_dma source(%dma_start3A_18 : memref<50257x1024xf32, #tpu.memory_space<hbm>>) target(%dma_start3A_13 : memref<40x1024xf32, #tpu.memory_space<vmem>>) offsets(%dma_start3A_15 : memref<40xi32, #tpu.memory_space<vmem>>) semaphore(%arg7 : memref<!tpu.dma_semaphore, #tpu.memory_space<semaphore_mem>>)
      %dma_wait3A = arith.constant 0 : i32
      %dma_wait3A_19 = arith.constant 0 : i32
      %dma_wait3A_20 = tpu.memref_slice %arg6[%dma_wait3A, %dma_wait3A_19] : memref<72x1024xf32, #tpu.memory_space<vmem>> -> memref<40x1024xf32, #tpu.memory_space<vmem>>
      %dma_wait3A_21 = arith.constant 0 : i32
      %dma_wait3A_22 = tpu.memref_slice %arg5[%dma_wait3A_21] : memref<72xi32, #tpu.memory_space<vmem>> -> memref<40xi32, #tpu.memory_space<vmem>>
      %dma_wait3A_23 = arith.constant 0 : i32
      %dma_wait3A_24 = arith.constant 0 : i32
      %dma_wait3A_25 = tpu.memref_slice %arg2[%dma_wait3A_23, %dma_wait3A_24] : memref<50257x1024xf32, #tpu.memory_space<hbm>> -> memref<50257x1024xf32, #tpu.memory_space<hbm>>
      tpu.wait_indirect_dma semaphore(%arg7 : memref<!tpu.dma_semaphore, #tpu.memory_space<semaphore_mem>>) src(%dma_wait3A_25 : memref<50257x1024xf32, #tpu.memory_space<hbm>>) dst(%dma_wait3A_20 : memref<40x1024xf32, #tpu.memory_space<vmem>>)
      "tpu.region"() ({
        %run_scoped3A = tpu.sem_alloc : memref<!tpu.dma_semaphore, #tpu.memory_space<semaphore_mem>>
        %dma_start3A_26 = arith.constant 0 : i32
        %dma_start3A_27 = arith.constant 0 : i32
        %dma_start3A_28 = tpu.memref_slice %arg6[%dma_start3A_26, %dma_start3A_27] : memref<72x1024xf32, #tpu.memory_space<vmem>> -> memref<40x1024xf32, #tpu.memory_space<vmem>>
        %dma_start3A_29 = arith.constant 0 : i32
        %dma_start3A_30 = tpu.memref_slice %arg4[%add3A_11, %dma_start3A_29] : memref<2176x1024xf32, #tpu.memory_space<hbm>> -> memref<40x1024xf32, #tpu.memory_space<hbm>>
        %dma_start3A_31 = arith.constant 0 : i32
        %dma_start3A_32 = tpu.memref_slice %arg4[%add3A_11, %dma_start3A_31] : memref<2176x1024xf32, #tpu.memory_space<hbm>> -> memref<40x1024xf32, #tpu.memory_space<hbm>>
        %dma_start3A_33 = arith.constant 0 : i32
        %dma_start3A_34 = arith.constant 0 : i32
        %dma_start3A_35 = tpu.memref_slice %arg6[%dma_start3A_33, %dma_start3A_34] : memref<72x1024xf32, #tpu.memory_space<vmem>> -> memref<40x1024xf32, #tpu.memory_space<vmem>>
        tpu.enqueue_dma source(%dma_start3A_35 : memref<40x1024xf32, #tpu.memory_space<vmem>>) target(%dma_start3A_32 : memref<40x1024xf32, #tpu.memory_space<hbm>>) target_semaphore(%run_scoped3A : memref<!tpu.dma_semaphore, #tpu.memory_space<semaphore_mem>>)
        %dma_wait3A_36 = arith.constant 0 : i32
        %dma_wait3A_37 = arith.constant 0 : i32
        %dma_wait3A_38 = tpu.memref_slice %arg6[%dma_wait3A_36, %dma_wait3A_37] : memref<72x1024xf32, #tpu.memory_space<vmem>> -> memref<40x1024xf32, #tpu.memory_space<vmem>>
        %dma_wait3A_39 = arith.constant 0 : i32
        %dma_wait3A_40 = tpu.memref_slice %arg4[%add3A_11, %dma_wait3A_39] : memref<2176x1024xf32, #tpu.memory_space<hbm>> -> memref<40x1024xf32, #tpu.memory_space<hbm>>
        %dma_wait3A_41 = arith.constant 0 : i32
        %dma_wait3A_42 = tpu.memref_slice %arg4[%add3A_11, %dma_wait3A_41] : memref<2176x1024xf32, #tpu.memory_space<hbm>> -> memref<40x1024xf32, #tpu.memory_space<hbm>>
        %dma_wait3A_43 = arith.constant 0 : i32
        %dma_wait3A_44 = arith.constant 0 : i32
        %dma_wait3A_45 = tpu.memref_slice %arg6[%dma_wait3A_43, %dma_wait3A_44] : memref<72x1024xf32, #tpu.memory_space<vmem>> -> memref<40x1024xf32, #tpu.memory_space<vmem>>
        tpu.wait_dma2 semaphore(%run_scoped3A : memref<!tpu.dma_semaphore, #tpu.memory_space<semaphore_mem>>) src(%dma_wait3A_45 : memref<40x1024xf32, #tpu.memory_space<vmem>>) dst(%dma_wait3A_42 : memref<40x1024xf32, #tpu.memory_space<hbm>>)
        tpu.yield
      }) : () -> ()
    } else {
    }
    return
  }
}

module attributes {stable_mosaic.version = 14 : i64} {
  func.func @_qkv_body(%arg0: i32, %arg1: memref<128x1024xf32, #tpu.memory_space<vmem>>, %arg2: memref<1024x1024xbf16, #tpu.memory_space<vmem>>, %arg3: memref<1024x1024xbf16, #tpu.memory_space<vmem>>, %arg4: memref<1024x1024xbf16, #tpu.memory_space<vmem>>, %arg5: memref<1x1024xf32, #tpu.memory_space<vmem>>, %arg6: memref<1x1024xf32, #tpu.memory_space<vmem>>, %arg7: memref<128x1024xbf16, #tpu.memory_space<vmem>>, %arg8: memref<1024x128xbf16, #tpu.memory_space<vmem>>, %arg9: memref<128x2048xbf16, #tpu.memory_space<vmem>>, %arg10: memref<1024x3072xbf16, #tpu.memory_space<vmem>>) attributes {dimension_semantics = [#tpu.dimension_semantics<arbitrary>], iteration_bounds = array<i64: 17>, scalar_prefetch = 0 : i64, scratch_operands = 1 : i64, tpu.core_type = #tpu.core_type<tc>, window_params = [{transform_indices = @transform_0, window_bounds = array<i64: 128, 1024>}, {pipeline_mode = #tpu.pipeline_mode<synchronous>, transform_indices = @transform_1, window_bounds = array<i64: 1024, 1024>}, {pipeline_mode = #tpu.pipeline_mode<synchronous>, transform_indices = @transform_2, window_bounds = array<i64: 1024, 1024>}, {pipeline_mode = #tpu.pipeline_mode<synchronous>, transform_indices = @transform_3, window_bounds = array<i64: 1024, 1024>}, {pipeline_mode = #tpu.pipeline_mode<synchronous>, transform_indices = @transform_4, window_bounds = array<i64: 1, 1024>}, {pipeline_mode = #tpu.pipeline_mode<synchronous>, transform_indices = @transform_5, window_bounds = array<i64: 1, 1024>}, {transform_indices = @transform_6, window_bounds = array<i64: 128, 1024>}, {transform_indices = @transform_7, window_bounds = array<i64: 1024, 128>}, {transform_indices = @transform_8, window_bounds = array<i64: 128, 2048>}]} {
    %eq3A = arith.constant 0 : i32
    %eq3A_0 = arith.cmpi eq, %arg0, %eq3A : i32
    %convert_element_type3A = arith.extui %eq3A_0 : i1 to i32
    %cond3A = arith.constant 0 : i32
    %cond3A_1 = arith.cmpi ne, %convert_element_type3A, %cond3A : i32
    scf.if %cond3A_1 {
      %get3A_72 = arith.constant 0 : index
      %get3A_73 = arith.constant 0 : index
      %get3A_74 = vector.load %arg2[%get3A_72, %get3A_73] : memref<1024x1024xbf16, #tpu.memory_space<vmem>>, vector<1024x1024xbf16>
      %swap3A_75 = arith.constant 0 : index
      %swap3A_76 = arith.constant 0 : index
      %swap3A_77 = vector.load %arg10[%swap3A_75, %swap3A_76] : memref<1024x3072xbf16, #tpu.memory_space<vmem>>, vector<1024x1024xbf16>
      tpu.vector_store %arg10[%swap3A_75, %swap3A_76], %get3A_74 {strides = array<i32>} : memref<1024x3072xbf16, #tpu.memory_space<vmem>>, vector<1024x1024xbf16>,
      %get3A_78 = arith.constant 0 : index
      %get3A_79 = arith.constant 0 : index
      %get3A_80 = vector.load %arg3[%get3A_78, %get3A_79] : memref<1024x1024xbf16, #tpu.memory_space<vmem>>, vector<1024x1024xbf16>
      %swap3A_81 = arith.constant 0 : index
      %swap3A_82 = arith.constant 1024 : index
      %swap3A_83 = vector.load %arg10[%swap3A_81, %swap3A_82] : memref<1024x3072xbf16, #tpu.memory_space<vmem>>, vector<1024x1024xbf16>
      tpu.vector_store %arg10[%swap3A_81, %swap3A_82], %get3A_80 {strides = array<i32>} : memref<1024x3072xbf16, #tpu.memory_space<vmem>>, vector<1024x1024xbf16>,
      %get3A_84 = arith.constant 0 : index
      %get3A_85 = arith.constant 0 : index
      %get3A_86 = vector.load %arg4[%get3A_84, %get3A_85] : memref<1024x1024xbf16, #tpu.memory_space<vmem>>, vector<1024x1024xbf16>
      %swap3A_87 = arith.constant 0 : index
      %swap3A_88 = arith.constant 2048 : index
      %swap3A_89 = vector.load %arg10[%swap3A_87, %swap3A_88] : memref<1024x3072xbf16, #tpu.memory_space<vmem>>, vector<1024x1024xbf16>
      tpu.vector_store %arg10[%swap3A_87, %swap3A_88], %get3A_86 {strides = array<i32>} : memref<1024x3072xbf16, #tpu.memory_space<vmem>>, vector<1024x1024xbf16>,
    } else {
    }
    %get3A = arith.constant 0 : index
    %get3A_2 = arith.constant 0 : index
    %get3A_3 = vector.load %arg1[%get3A, %get3A_2] : memref<128x1024xf32, #tpu.memory_space<vmem>>, vector<128x1024xf32>
    %get3A_4 = arith.constant 0 : index
    %get3A_5 = arith.constant 0 : index
    %get3A_6 = vector.load %arg5[%get3A_4, %get3A_5] : memref<1x1024xf32, #tpu.memory_space<vmem>>, vector<1x1024xf32>
    %get3A_7 = arith.constant 0 : index
    %get3A_8 = arith.constant 0 : index
    %get3A_9 = vector.load %arg6[%get3A_7, %get3A_8] : memref<1x1024xf32, #tpu.memory_space<vmem>>, vector<1x1024xf32>
    %reduce_sum3A = arith.constant dense<0.000000e+00> : vector<128xf32>
    %reduce_sum3A_10 = vector.multi_reduction <add>, %get3A_3, %reduce_sum3A [1] : vector<128x1024xf32> to vector<128xf32>
    %broadcast_in_dim3A = vector.shape_cast %reduce_sum3A_10 : vector<128xf32> to vector<128x1xf32>
    %div3A = arith.constant 1.024000e+03 : f32
    %div3A_11 = vector.broadcast %div3A : f32 to vector<128x1xf32>
    %div3A_12 = arith.divf %broadcast_in_dim3A, %div3A_11 : vector<128x1xf32>
    %sub3A = vector.broadcast %div3A_12 : vector<128x1xf32> to vector<128x1024xf32>
    %sub3A_13 = arith.subf %get3A_3, %sub3A : vector<128x1024xf32>
    %integer_pow3A = arith.mulf %sub3A_13, %sub3A_13 : vector<128x1024xf32>
    %reduce_sum3A_14 = arith.constant dense<0.000000e+00> : vector<128xf32>
    %reduce_sum3A_15 = vector.multi_reduction <add>, %integer_pow3A, %reduce_sum3A_14 [1] : vector<128x1024xf32> to vector<128xf32>
    %broadcast_in_dim3A_16 = vector.shape_cast %reduce_sum3A_15 : vector<128xf32> to vector<128x1xf32>
    %div3A_17 = arith.constant 1.024000e+03 : f32
    %div3A_18 = vector.broadcast %div3A_17 : f32 to vector<128x1xf32>
    %div3A_19 = arith.divf %broadcast_in_dim3A_16, %div3A_18 : vector<128x1xf32>
    %sub3A_20 = vector.broadcast %div3A_12 : vector<128x1xf32> to vector<128x1024xf32>
    %sub3A_21 = arith.subf %get3A_3, %sub3A_20 : vector<128x1024xf32>
    %add3A = arith.constant 9.99999974E-6 : f32
    %add3A_22 = vector.broadcast %add3A : f32 to vector<128x1xf32>
    %add3A_23 = arith.addf %div3A_19, %add3A_22 : vector<128x1xf32>
    %rsqrt3A = math.rsqrt %add3A_23 : vector<128x1xf32>
    %mul3A = vector.broadcast %rsqrt3A : vector<128x1xf32> to vector<128x1024xf32>
    %mul3A_24 = arith.mulf %sub3A_21, %mul3A : vector<128x1024xf32>
    %mul3A_25 = vector.broadcast %get3A_6 : vector<1x1024xf32> to vector<128x1024xf32>
    %mul3A_26 = arith.mulf %mul3A_24, %mul3A_25 : vector<128x1024xf32>
    %add3A_27 = vector.broadcast %get3A_9 : vector<1x1024xf32> to vector<128x1024xf32>
    %add3A_28 = arith.addf %mul3A_26, %add3A_27 : vector<128x1024xf32>
    %convert_element_type3A_29 = arith.truncf %add3A_28 : vector<128x1024xf32> to vector<128x1024xbf16>
    %get3A_30 = arith.constant 0 : index
    %get3A_31 = arith.constant 0 : index
    %get3A_32 = vector.load %arg10[%get3A_30, %get3A_31] : memref<1024x3072xbf16, #tpu.memory_space<vmem>>, vector<1024x1024xbf16>
    %dot_general3A = arith.constant dense<0.000000e+00> : vector<128x1024xf32>
    %dot_general3A_33 = tpu.matmul %convert_element_type3A_29, %get3A_32, %dot_general3A {dimension_numbers = #tpu.dot_dimension_numbers<[1], [0], [0], [1], [0, 0, 1, 1], [], []>, transpose_lhs_hint = false} : vector<128x1024xbf16>, vector<1024x1024xbf16>, vector<128x1024xf32> -> vector<128x1024xf32>
    %convert_element_type3A_34 = arith.truncf %dot_general3A_33 : vector<128x1024xf32> to vector<128x1024xbf16>
    %mul3A_35 = arith.constant 1.806640e-01 : bf16
    %mul3A_36 = vector.broadcast %mul3A_35 : bf16 to vector<128x1024xbf16>
    %mul3A_37 = arith.mulf %convert_element_type3A_34, %mul3A_36 : vector<128x1024xbf16>
    %swap3A = arith.constant 0 : index
    %swap3A_38 = arith.constant 0 : index
    %swap3A_39 = vector.load %arg7[%swap3A, %swap3A_38] : memref<128x1024xbf16, #tpu.memory_space<vmem>>, vector<128x1024xbf16>
    tpu.vector_store %arg7[%swap3A, %swap3A_38], %mul3A_37 {strides = array<i32>} : memref<128x1024xbf16, #tpu.memory_space<vmem>>, vector<128x1024xbf16>,
    %get3A_40 = arith.constant 0 : index
    %get3A_41 = arith.constant 1024 : index
    %get3A_42 = vector.load %arg10[%get3A_40, %get3A_41] : memref<1024x3072xbf16, #tpu.memory_space<vmem>>, vector<1024x1024xbf16>
    %dot_general3A_43 = arith.constant dense<0.000000e+00> : vector<128x1024xf32>
    %dot_general3A_44 = tpu.matmul %convert_element_type3A_29, %get3A_42, %dot_general3A_43 {dimension_numbers = #tpu.dot_dimension_numbers<[1], [0], [0], [1], [0, 0, 1, 1], [], []>, transpose_lhs_hint = false} : vector<128x1024xbf16>, vector<1024x1024xbf16>, vector<128x1024xf32> -> vector<128x1024xf32>
    %convert_element_type3A_45 = arith.truncf %dot_general3A_44 : vector<128x1024xf32> to vector<128x1024xbf16>
    %transpose3A = tpu.transpose %convert_element_type3A_45, [1, 0] : vector<128x1024xbf16> -> vector<1024x128xbf16>
    %swap3A_46 = arith.constant 0 : index
    %swap3A_47 = arith.constant 0 : index
    %swap3A_48 = vector.load %arg8[%swap3A_46, %swap3A_47] : memref<1024x128xbf16, #tpu.memory_space<vmem>>, vector<1024x128xbf16>
    tpu.vector_store %arg8[%swap3A_46, %swap3A_47], %transpose3A {strides = array<i32>} : memref<1024x128xbf16, #tpu.memory_space<vmem>>, vector<1024x128xbf16>,
    %get3A_49 = arith.constant 0 : index
    %get3A_50 = arith.constant 2048 : index
    %get3A_51 = vector.load %arg10[%get3A_49, %get3A_50] : memref<1024x3072xbf16, #tpu.memory_space<vmem>>, vector<1024x1024xbf16>
    %dot_general3A_52 = arith.constant dense<0.000000e+00> : vector<128x1024xf32>
    %dot_general3A_53 = tpu.matmul %convert_element_type3A_29, %get3A_51, %dot_general3A_52 {dimension_numbers = #tpu.dot_dimension_numbers<[1], [0], [0], [1], [0, 0, 1, 1], [], []>, transpose_lhs_hint = false} : vector<128x1024xbf16>, vector<1024x1024xbf16>, vector<128x1024xf32> -> vector<128x1024xf32>
    %convert_element_type3A_54 = arith.truncf %dot_general3A_53 : vector<128x1024xf32> to vector<128x1024xbf16>
    %mul3A_55 = arith.constant 128 : i32
    %mul3A_56 = arith.muli %arg0, %mul3A_55 : i32
    %iota3A = tpu.iota {dimensions = array<i32: 0>} : vector<128x1x1xi32>
    %add3A_57 = vector.broadcast %mul3A_56 : i32 to vector<128x1x1xi32>
    %add3A_58 = arith.addi %add3A_57, %iota3A : vector<128x1x1xi32>
    %lt3A = arith.constant 2050 : i32
    %lt3A_59 = vector.broadcast %lt3A : i32 to vector<128x1x1xi32>
    %lt3A_60 = arith.cmpi slt, %add3A_58, %lt3A_59 : vector<128x1x1xi32>
    %convert_element_type3A_61 = arith.extui %lt3A_60 : vector<128x1x1xi1> to vector<128x1x1xi32>
    %convert_element_type3A_62 = arith.sitofp %convert_element_type3A_61 : vector<128x1x1xi32> to vector<128x1x1xf32>
    %convert_element_type3A_63 = arith.truncf %convert_element_type3A_62 : vector<128x1x1xf32> to vector<128x1x1xbf16>
    %reshape3A = vector.shape_cast %convert_element_type3A_54 : vector<128x1024xbf16> to vector<128x16x64xbf16>
    %mul3A_64 = vector.broadcast %convert_element_type3A_63 : vector<128x1x1xbf16> to vector<128x16x64xbf16>
    %mul3A_65 = arith.mulf %reshape3A, %mul3A_64 : vector<128x16x64xbf16>
    %broadcast_in_dim3A_66 = vector.shape_cast %convert_element_type3A_63 : vector<128x1x1xbf16> to vector<128x1x1xbf16>
    %broadcast_in_dim3A_67 = vector.broadcast %broadcast_in_dim3A_66 : vector<128x1x1xbf16> to vector<128x16x64xbf16>
    %concatenate3A = tpu.concatenate %mul3A_65, %broadcast_in_dim3A_67 in 2 : vector<128x16x64xbf16>, vector<128x16x64xbf16> -> vector<128x16x128xbf16>
    %reshape3A_68 = vector.shape_cast %concatenate3A : vector<128x16x128xbf16> to vector<128x2048xbf16>
    %swap3A_69 = arith.constant 0 : index
    %swap3A_70 = arith.constant 0 : index
    %swap3A_71 = vector.load %arg9[%swap3A_69, %swap3A_70] : memref<128x2048xbf16, #tpu.memory_space<vmem>>, vector<128x2048xbf16>
    tpu.vector_store %arg9[%swap3A_69, %swap3A_70], %reshape3A_68 {strides = array<i32>} : memref<128x2048xbf16, #tpu.memory_space<vmem>>, vector<128x2048xbf16>,
    return
  }
  func.func @transform_0(%arg0: i32) -> (i32, i32) {
    %c0_i32 = arith.constant 0 : i32
    %c0_i32_0 = arith.constant 0 : i32
    return %arg0, %c0_i32 : i32, i32
  }
  func.func @transform_1(%arg0: i32) -> (i32, i32) {
    %c0_i32 = arith.constant 0 : i32
    %c0_i32_0 = arith.constant 0 : i32
    %c0_i32_1 = arith.constant 0 : i32
    return %c0_i32, %c0_i32_0 : i32, i32
  }
  func.func @transform_2(%arg0: i32) -> (i32, i32) {
    %c0_i32 = arith.constant 0 : i32
    %c0_i32_0 = arith.constant 0 : i32
    %c0_i32_1 = arith.constant 0 : i32
    return %c0_i32, %c0_i32_0 : i32, i32
  }
  func.func @transform_3(%arg0: i32) -> (i32, i32) {
    %c0_i32 = arith.constant 0 : i32
    %c0_i32_0 = arith.constant 0 : i32
    %c0_i32_1 = arith.constant 0 : i32
    return %c0_i32, %c0_i32_0 : i32, i32
  }
  func.func @transform_4(%arg0: i32) -> (i32, i32) {
    %c0_i32 = arith.constant 0 : i32
    %c0_i32_0 = arith.constant 0 : i32
    %c0_i32_1 = arith.constant 0 : i32
    return %c0_i32, %c0_i32_0 : i32, i32
  }
  func.func @transform_5(%arg0: i32) -> (i32, i32) {
    %c0_i32 = arith.constant 0 : i32
    %c0_i32_0 = arith.constant 0 : i32
    %c0_i32_1 = arith.constant 0 : i32
    return %c0_i32, %c0_i32_0 : i32, i32
  }
  func.func @transform_6(%arg0: i32) -> (i32, i32) {
    %c0_i32 = arith.constant 0 : i32
    %c0_i32_0 = arith.constant 0 : i32
    return %arg0, %c0_i32 : i32, i32
  }
  func.func @transform_7(%arg0: i32) -> (i32, i32) {
    %c0_i32 = arith.constant 0 : i32
    %c0_i32_0 = arith.constant 0 : i32
    return %c0_i32, %arg0 : i32, i32
  }
  func.func @transform_8(%arg0: i32) -> (i32, i32) {
    %c0_i32 = arith.constant 0 : i32
    %c0_i32_0 = arith.constant 0 : i32
    return %arg0, %c0_i32 : i32, i32
  }
}

module attributes {stable_mosaic.version = 14 : i64} {
  func.func @_attn_body(%arg0: i32, %arg1: i32, %arg2: memref<1088x256xbf16, #tpu.memory_space<vmem>>, %arg3: memref<256x2176xbf16, #tpu.memory_space<vmem>>, %arg4: memref<2176x512xbf16, #tpu.memory_space<vmem>>, %arg5: memref<128x1024xf32, #tpu.memory_space<vmem>>, %arg6: memref<128x4096xf32, #tpu.memory_space<vmem>>, %arg7: memref<512x1024xf32, #tpu.memory_space<vmem>>, %arg8: memref<1088x256xbf16, #tpu.memory_space<vmem>>, %arg9: memref<128x1024xbf16, #tpu.memory_space<vmem>>, %arg10: memref<128x4096xbf16, #tpu.memory_space<vmem>>, %arg11: memref<512x1024xbf16, #tpu.memory_space<vmem>>) attributes {dimension_semantics = [#tpu.dimension_semantics<arbitrary>, #tpu.dimension_semantics<arbitrary>], iteration_bounds = array<i64: 4, 2>, scalar_prefetch = 0 : i64, scratch_operands = 0 : i64, tpu.core_type = #tpu.core_type<tc>, window_params = [{transform_indices = @transform_0, window_bounds = array<i64: 1088, 256>}, {transform_indices = @transform_1, window_bounds = array<i64: 256, 2176>}, {transform_indices = @transform_2, window_bounds = array<i64: 2176, 512>}, {transform_indices = @transform_3, window_bounds = array<i64: 128, 1024>}, {transform_indices = @transform_4, window_bounds = array<i64: 128, 4096>}, {transform_indices = @transform_5, window_bounds = array<i64: 512, 1024>}, {transform_indices = @transform_6, window_bounds = array<i64: 1088, 256>}, {transform_indices = @transform_7, window_bounds = array<i64: 128, 1024>}, {transform_indices = @transform_8, window_bounds = array<i64: 128, 4096>}, {transform_indices = @transform_9, window_bounds = array<i64: 512, 1024>}]} {
    %get3A = arith.constant 0 : index
    %get3A_0 = arith.constant 0 : index
    %get3A_1 = vector.load %arg5[%get3A, %get3A_0] : memref<128x1024xf32, #tpu.memory_space<vmem>>, vector<128x1024xf32>
    %convert_element_type3A = arith.truncf %get3A_1 : vector<128x1024xf32> to vector<128x1024xbf16>
    %swap3A = arith.constant 0 : index
    %swap3A_2 = arith.constant 0 : index
    %swap3A_3 = vector.load %arg9[%swap3A, %swap3A_2] : memref<128x1024xbf16, #tpu.memory_space<vmem>>, vector<128x1024xbf16>
    tpu.vector_store %arg9[%swap3A, %swap3A_2], %convert_element_type3A {strides = array<i32>} : memref<128x1024xbf16, #tpu.memory_space<vmem>>, vector<128x1024xbf16>,
    %get3A_4 = arith.constant 0 : index
    %get3A_5 = arith.constant 0 : index
    %get3A_6 = vector.load %arg6[%get3A_4, %get3A_5] : memref<128x4096xf32, #tpu.memory_space<vmem>>, vector<128x4096xf32>
    %convert_element_type3A_7 = arith.truncf %get3A_6 : vector<128x4096xf32> to vector<128x4096xbf16>
    %swap3A_8 = arith.constant 0 : index
    %swap3A_9 = arith.constant 0 : index
    %swap3A_10 = vector.load %arg10[%swap3A_8, %swap3A_9] : memref<128x4096xbf16, #tpu.memory_space<vmem>>, vector<128x4096xbf16>
    tpu.vector_store %arg10[%swap3A_8, %swap3A_9], %convert_element_type3A_7 {strides = array<i32>} : memref<128x4096xbf16, #tpu.memory_space<vmem>>, vector<128x4096xbf16>,
    %get3A_11 = arith.constant 0 : index
    %get3A_12 = arith.constant 0 : index
    %get3A_13 = vector.load %arg7[%get3A_11, %get3A_12] : memref<512x1024xf32, #tpu.memory_space<vmem>>, vector<512x1024xf32>
    %convert_element_type3A_14 = arith.truncf %get3A_13 : vector<512x1024xf32> to vector<512x1024xbf16>
    %swap3A_15 = arith.constant 0 : index
    %swap3A_16 = arith.constant 0 : index
    %swap3A_17 = vector.load %arg11[%swap3A_15, %swap3A_16] : memref<512x1024xbf16, #tpu.memory_space<vmem>>, vector<512x1024xbf16>
    tpu.vector_store %arg11[%swap3A_15, %swap3A_16], %convert_element_type3A_14 {strides = array<i32>} : memref<512x1024xbf16, #tpu.memory_space<vmem>>, vector<512x1024xbf16>,
    %get3A_18 = arith.constant 0 : index
    %get3A_19 = arith.constant 0 : index
    %get3A_20 = vector.load %arg2[%get3A_18, %get3A_19] : memref<1088x256xbf16, #tpu.memory_space<vmem>>, vector<1088x64xbf16>
    %get3A_21 = arith.constant 0 : index
    %get3A_22 = arith.constant 0 : index
    %get3A_23 = vector.load %arg3[%get3A_21, %get3A_22] : memref<256x2176xbf16, #tpu.memory_space<vmem>>, vector<64x2176xbf16>
    %get3A_24 = arith.constant 0 : index
    %get3A_25 = arith.constant 0 : index
    %get3A_26 = vector.load %arg4[%get3A_24, %get3A_25] : memref<2176x512xbf16, #tpu.memory_space<vmem>>, vector<2176x128xbf16>
    %dot_general3A = arith.constant dense<0.000000e+00> : vector<1088x2176xf32>
    %dot_general3A_27 = tpu.matmul %get3A_20, %get3A_23, %dot_general3A {dimension_numbers = #tpu.dot_dimension_numbers<[1], [0], [0], [1], [0, 0, 1, 1], [], []>, transpose_lhs_hint = false} : vector<1088x64xbf16>, vector<64x2176xbf16>, vector<1088x2176xf32> -> vector<1088x2176xf32>
    %convert_element_type3A_28 = arith.truncf %dot_general3A_27 : vector<1088x2176xf32> to vector<1088x2176xbf16>
    %exp23A = math.exp2 %convert_element_type3A_28 : vector<1088x2176xbf16>
    %dot_general3A_29 = arith.constant dense<0.000000e+00> : vector<1088x128xf32>
    %dot_general3A_30 = tpu.matmul %exp23A, %get3A_26, %dot_general3A_29 {dimension_numbers = #tpu.dot_dimension_numbers<[1], [0], [0], [1], [0, 0, 1, 1], [], []>, transpose_lhs_hint = false} : vector<1088x2176xbf16>, vector<2176x128xbf16>, vector<1088x128xf32> -> vector<1088x128xf32>
    %slice3A = vector.extract_strided_slice %dot_general3A_30 {offsets = [0, 0], sizes = [1088, 64], strides = [1, 1]} : vector<1088x128xf32> to vector<1088x64xf32>
    %slice3A_31 = vector.extract_strided_slice %dot_general3A_30 {offsets = [0, 64], sizes = [1088, 1], strides = [1, 1]} : vector<1088x128xf32> to vector<1088x1xf32>
    %div3A = vector.broadcast %slice3A_31 : vector<1088x1xf32> to vector<1088x64xf32>
    %div3A_32 = arith.divf %slice3A, %div3A : vector<1088x64xf32>
    %convert_element_type3A_33 = arith.truncf %div3A_32 : vector<1088x64xf32> to vector<1088x64xbf16>
    %swap3A_34 = arith.constant 0 : index
    %swap3A_35 = arith.constant 0 : index
    %swap3A_36 = vector.load %arg8[%swap3A_34, %swap3A_35] : memref<1088x256xbf16, #tpu.memory_space<vmem>>, vector<1088x64xbf16>
    tpu.vector_store %arg8[%swap3A_34, %swap3A_35], %convert_element_type3A_33 {strides = array<i32>} : memref<1088x256xbf16, #tpu.memory_space<vmem>>, vector<1088x64xbf16>,
    %get3A_37 = arith.constant 0 : index
    %get3A_38 = arith.constant 64 : index
    %get3A_39 = vector.load %arg2[%get3A_37, %get3A_38] : memref<1088x256xbf16, #tpu.memory_space<vmem>>, vector<1088x64xbf16>
    %get3A_40 = arith.constant 64 : index
    %get3A_41 = arith.constant 0 : index
    %get3A_42 = vector.load %arg3[%get3A_40, %get3A_41] : memref<256x2176xbf16, #tpu.memory_space<vmem>>, vector<64x2176xbf16>
    %get3A_43 = arith.constant 0 : index
    %get3A_44 = arith.constant 128 : index
    %get3A_45 = vector.load %arg4[%get3A_43, %get3A_44] : memref<2176x512xbf16, #tpu.memory_space<vmem>>, vector<2176x128xbf16>
    %dot_general3A_46 = arith.constant dense<0.000000e+00> : vector<1088x2176xf32>
    %dot_general3A_47 = tpu.matmul %get3A_39, %get3A_42, %dot_general3A_46 {dimension_numbers = #tpu.dot_dimension_numbers<[1], [0], [0], [1], [0, 0, 1, 1], [], []>, transpose_lhs_hint = false} : vector<1088x64xbf16>, vector<64x2176xbf16>, vector<1088x2176xf32> -> vector<1088x2176xf32>
    %convert_element_type3A_48 = arith.truncf %dot_general3A_47 : vector<1088x2176xf32> to vector<1088x2176xbf16>
    %exp23A_49 = math.exp2 %convert_element_type3A_48 : vector<1088x2176xbf16>
    %dot_general3A_50 = arith.constant dense<0.000000e+00> : vector<1088x128xf32>
    %dot_general3A_51 = tpu.matmul %exp23A_49, %get3A_45, %dot_general3A_50 {dimension_numbers = #tpu.dot_dimension_numbers<[1], [0], [0], [1], [0, 0, 1, 1], [], []>, transpose_lhs_hint = false} : vector<1088x2176xbf16>, vector<2176x128xbf16>, vector<1088x128xf32> -> vector<1088x128xf32>
    %slice3A_52 = vector.extract_strided_slice %dot_general3A_51 {offsets = [0, 0], sizes = [1088, 64], strides = [1, 1]} : vector<1088x128xf32> to vector<1088x64xf32>
    %slice3A_53 = vector.extract_strided_slice %dot_general3A_51 {offsets = [0, 64], sizes = [1088, 1], strides = [1, 1]} : vector<1088x128xf32> to vector<1088x1xf32>
    %div3A_54 = vector.broadcast %slice3A_53 : vector<1088x1xf32> to vector<1088x64xf32>
    %div3A_55 = arith.divf %slice3A_52, %div3A_54 : vector<1088x64xf32>
    %convert_element_type3A_56 = arith.truncf %div3A_55 : vector<1088x64xf32> to vector<1088x64xbf16>
    %swap3A_57 = arith.constant 0 : index
    %swap3A_58 = arith.constant 64 : index
    %swap3A_59 = vector.load %arg8[%swap3A_57, %swap3A_58] : memref<1088x256xbf16, #tpu.memory_space<vmem>>, vector<1088x64xbf16>
    tpu.vector_store %arg8[%swap3A_57, %swap3A_58], %convert_element_type3A_56 {strides = array<i32>} : memref<1088x256xbf16, #tpu.memory_space<vmem>>, vector<1088x64xbf16>,
    %get3A_60 = arith.constant 0 : index
    %get3A_61 = arith.constant 128 : index
    %get3A_62 = vector.load %arg2[%get3A_60, %get3A_61] : memref<1088x256xbf16, #tpu.memory_space<vmem>>, vector<1088x64xbf16>
    %get3A_63 = arith.constant 128 : index
    %get3A_64 = arith.constant 0 : index
    %get3A_65 = vector.load %arg3[%get3A_63, %get3A_64] : memref<256x2176xbf16, #tpu.memory_space<vmem>>, vector<64x2176xbf16>
    %get3A_66 = arith.constant 0 : index
    %get3A_67 = arith.constant 256 : index
    %get3A_68 = vector.load %arg4[%get3A_66, %get3A_67] : memref<2176x512xbf16, #tpu.memory_space<vmem>>, vector<2176x128xbf16>
    %dot_general3A_69 = arith.constant dense<0.000000e+00> : vector<1088x2176xf32>
    %dot_general3A_70 = tpu.matmul %get3A_62, %get3A_65, %dot_general3A_69 {dimension_numbers = #tpu.dot_dimension_numbers<[1], [0], [0], [1], [0, 0, 1, 1], [], []>, transpose_lhs_hint = false} : vector<1088x64xbf16>, vector<64x2176xbf16>, vector<1088x2176xf32> -> vector<1088x2176xf32>
    %convert_element_type3A_71 = arith.truncf %dot_general3A_70 : vector<1088x2176xf32> to vector<1088x2176xbf16>
    %exp23A_72 = math.exp2 %convert_element_type3A_71 : vector<1088x2176xbf16>
    %dot_general3A_73 = arith.constant dense<0.000000e+00> : vector<1088x128xf32>
    %dot_general3A_74 = tpu.matmul %exp23A_72, %get3A_68, %dot_general3A_73 {dimension_numbers = #tpu.dot_dimension_numbers<[1], [0], [0], [1], [0, 0, 1, 1], [], []>, transpose_lhs_hint = false} : vector<1088x2176xbf16>, vector<2176x128xbf16>, vector<1088x128xf32> -> vector<1088x128xf32>
    %slice3A_75 = vector.extract_strided_slice %dot_general3A_74 {offsets = [0, 0], sizes = [1088, 64], strides = [1, 1]} : vector<1088x128xf32> to vector<1088x64xf32>
    %slice3A_76 = vector.extract_strided_slice %dot_general3A_74 {offsets = [0, 64], sizes = [1088, 1], strides = [1, 1]} : vector<1088x128xf32> to vector<1088x1xf32>
    %div3A_77 = vector.broadcast %slice3A_76 : vector<1088x1xf32> to vector<1088x64xf32>
    %div3A_78 = arith.divf %slice3A_75, %div3A_77 : vector<1088x64xf32>
    %convert_element_type3A_79 = arith.truncf %div3A_78 : vector<1088x64xf32> to vector<1088x64xbf16>
    %swap3A_80 = arith.constant 0 : index
    %swap3A_81 = arith.constant 128 : index
    %swap3A_82 = vector.load %arg8[%swap3A_80, %swap3A_81] : memref<1088x256xbf16, #tpu.memory_space<vmem>>, vector<1088x64xbf16>
    tpu.vector_store %arg8[%swap3A_80, %swap3A_81], %convert_element_type3A_79 {strides = array<i32>} : memref<1088x256xbf16, #tpu.memory_space<vmem>>, vector<1088x64xbf16>,
    %get3A_83 = arith.constant 0 : index
    %get3A_84 = arith.constant 192 : index
    %get3A_85 = vector.load %arg2[%get3A_83, %get3A_84] : memref<1088x256xbf16, #tpu.memory_space<vmem>>, vector<1088x64xbf16>
    %get3A_86 = arith.constant 192 : index
    %get3A_87 = arith.constant 0 : index
    %get3A_88 = vector.load %arg3[%get3A_86, %get3A_87] : memref<256x2176xbf16, #tpu.memory_space<vmem>>, vector<64x2176xbf16>
    %get3A_89 = arith.constant 0 : index
    %get3A_90 = arith.constant 384 : index
    %get3A_91 = vector.load %arg4[%get3A_89, %get3A_90] : memref<2176x512xbf16, #tpu.memory_space<vmem>>, vector<2176x128xbf16>
    %dot_general3A_92 = arith.constant dense<0.000000e+00> : vector<1088x2176xf32>
    %dot_general3A_93 = tpu.matmul %get3A_85, %get3A_88, %dot_general3A_92 {dimension_numbers = #tpu.dot_dimension_numbers<[1], [0], [0], [1], [0, 0, 1, 1], [], []>, transpose_lhs_hint = false} : vector<1088x64xbf16>, vector<64x2176xbf16>, vector<1088x2176xf32> -> vector<1088x2176xf32>
    %convert_element_type3A_94 = arith.truncf %dot_general3A_93 : vector<1088x2176xf32> to vector<1088x2176xbf16>
    %exp23A_95 = math.exp2 %convert_element_type3A_94 : vector<1088x2176xbf16>
    %dot_general3A_96 = arith.constant dense<0.000000e+00> : vector<1088x128xf32>
    %dot_general3A_97 = tpu.matmul %exp23A_95, %get3A_91, %dot_general3A_96 {dimension_numbers = #tpu.dot_dimension_numbers<[1], [0], [0], [1], [0, 0, 1, 1], [], []>, transpose_lhs_hint = false} : vector<1088x2176xbf16>, vector<2176x128xbf16>, vector<1088x128xf32> -> vector<1088x128xf32>
    %slice3A_98 = vector.extract_strided_slice %dot_general3A_97 {offsets = [0, 0], sizes = [1088, 64], strides = [1, 1]} : vector<1088x128xf32> to vector<1088x64xf32>
    %slice3A_99 = vector.extract_strided_slice %dot_general3A_97 {offsets = [0, 64], sizes = [1088, 1], strides = [1, 1]} : vector<1088x128xf32> to vector<1088x1xf32>
    %div3A_100 = vector.broadcast %slice3A_99 : vector<1088x1xf32> to vector<1088x64xf32>
    %div3A_101 = arith.divf %slice3A_98, %div3A_100 : vector<1088x64xf32>
    %convert_element_type3A_102 = arith.truncf %div3A_101 : vector<1088x64xf32> to vector<1088x64xbf16>
    %swap3A_103 = arith.constant 0 : index
    %swap3A_104 = arith.constant 192 : index
    %swap3A_105 = vector.load %arg8[%swap3A_103, %swap3A_104] : memref<1088x256xbf16, #tpu.memory_space<vmem>>, vector<1088x64xbf16>
    tpu.vector_store %arg8[%swap3A_103, %swap3A_104], %convert_element_type3A_102 {strides = array<i32>} : memref<1088x256xbf16, #tpu.memory_space<vmem>>, vector<1088x64xbf16>,
    return
  }
  func.func @transform_0(%arg0: i32, %arg1: i32) -> (i32, i32) {
    %c0_i32 = arith.constant 0 : i32
    return %arg1, %arg0 : i32, i32
  }
  func.func @transform_1(%arg0: i32, %arg1: i32) -> (i32, i32) {
    %c0_i32 = arith.constant 0 : i32
    %c0_i32_0 = arith.constant 0 : i32
    return %arg0, %c0_i32 : i32, i32
  }
  func.func @transform_2(%arg0: i32, %arg1: i32) -> (i32, i32) {
    %c0_i32 = arith.constant 0 : i32
    %c0_i32_0 = arith.constant 0 : i32
    return %c0_i32, %arg0 : i32, i32
  }
  func.func @transform_3(%arg0: i32, %arg1: i32) -> (i32, i32) {
    %mul3A = arith.constant 2 : i32
    %mul3A_0 = arith.muli %mul3A, %arg0 : i32
    %add3A = arith.addi %mul3A_0, %arg1 : i32
    %c0_i32 = arith.constant 0 : i32
    %c0_i32_1 = arith.constant 0 : i32
    return %add3A, %c0_i32 : i32, i32
  }
  func.func @transform_4(%arg0: i32, %arg1: i32) -> (i32, i32) {
    %mul3A = arith.constant 2 : i32
    %mul3A_0 = arith.muli %mul3A, %arg0 : i32
    %add3A = arith.addi %mul3A_0, %arg1 : i32
    %c0_i32 = arith.constant 0 : i32
    %c0_i32_1 = arith.constant 0 : i32
    return %add3A, %c0_i32 : i32, i32
  }
  func.func @transform_5(%arg0: i32, %arg1: i32) -> (i32, i32) {
    %mul3A = arith.constant 2 : i32
    %mul3A_0 = arith.muli %mul3A, %arg0 : i32
    %add3A = arith.addi %mul3A_0, %arg1 : i32
    %c0_i32 = arith.constant 0 : i32
    %c0_i32_1 = arith.constant 0 : i32
    return %add3A, %c0_i32 : i32, i32
  }
  func.func @transform_6(%arg0: i32, %arg1: i32) -> (i32, i32) {
    %c0_i32 = arith.constant 0 : i32
    return %arg1, %arg0 : i32, i32
  }
  func.func @transform_7(%arg0: i32, %arg1: i32) -> (i32, i32) {
    %mul3A = arith.constant 2 : i32
    %mul3A_0 = arith.muli %mul3A, %arg0 : i32
    %add3A = arith.addi %mul3A_0, %arg1 : i32
    %c0_i32 = arith.constant 0 : i32
    %c0_i32_1 = arith.constant 0 : i32
    return %add3A, %c0_i32 : i32, i32
  }
  func.func @transform_8(%arg0: i32, %arg1: i32) -> (i32, i32) {
    %mul3A = arith.constant 2 : i32
    %mul3A_0 = arith.muli %mul3A, %arg0 : i32
    %add3A = arith.addi %mul3A_0, %arg1 : i32
    %c0_i32 = arith.constant 0 : i32
    %c0_i32_1 = arith.constant 0 : i32
    return %add3A, %c0_i32 : i32, i32
  }
  func.func @transform_9(%arg0: i32, %arg1: i32) -> (i32, i32) {
    %mul3A = arith.constant 2 : i32
    %mul3A_0 = arith.muli %mul3A, %arg0 : i32
    %add3A = arith.addi %mul3A_0, %arg1 : i32
    %c0_i32 = arith.constant 0 : i32
    %c0_i32_1 = arith.constant 0 : i32
    return %add3A, %c0_i32 : i32, i32
  }
}

module attributes {stable_mosaic.version = 14 : i64} {
  func.func @_ffn_body(%arg0: i32, %arg1: memref<544x1024xf32, #tpu.memory_space<vmem>>, %arg2: memref<544x1024xbf16, #tpu.memory_space<vmem>>, %arg3: memref<1024x1024xbf16, #tpu.memory_space<vmem>>, %arg4: memref<1024x4096xbf16, #tpu.memory_space<vmem>>, %arg5: memref<4096x1024xbf16, #tpu.memory_space<vmem>>, %arg6: memref<1x1024xf32, #tpu.memory_space<vmem>>, %arg7: memref<1x1024xf32, #tpu.memory_space<vmem>>, %arg8: memref<544x1024xf32, #tpu.memory_space<vmem>>, %arg9: memref<544x1024xf32, #tpu.memory_space<vmem>>) attributes {dimension_semantics = [#tpu.dimension_semantics<arbitrary>], iteration_bounds = array<i64: 4>, scalar_prefetch = 0 : i64, scratch_operands = 0 : i64, tpu.core_type = #tpu.core_type<tc>, window_params = [{transform_indices = @transform_0, window_bounds = array<i64: 544, 1024>}, {transform_indices = @transform_1, window_bounds = array<i64: 544, 1024>}, {pipeline_mode = #tpu.pipeline_mode<synchronous>, transform_indices = @transform_2, window_bounds = array<i64: 1024, 1024>}, {pipeline_mode = #tpu.pipeline_mode<synchronous>, transform_indices = @transform_3, window_bounds = array<i64: 1024, 4096>}, {pipeline_mode = #tpu.pipeline_mode<synchronous>, transform_indices = @transform_4, window_bounds = array<i64: 4096, 1024>}, {pipeline_mode = #tpu.pipeline_mode<synchronous>, transform_indices = @transform_5, window_bounds = array<i64: 1, 1024>}, {pipeline_mode = #tpu.pipeline_mode<synchronous>, transform_indices = @transform_6, window_bounds = array<i64: 1, 1024>}, {transform_indices = @transform_7, window_bounds = array<i64: 544, 1024>}, {transform_indices = @transform_8, window_bounds = array<i64: 544, 1024>}]} {
    %get3A = arith.constant 0 : index
    %get3A_0 = arith.constant 0 : index
    %get3A_1 = vector.load %arg1[%get3A, %get3A_0] : memref<544x1024xf32, #tpu.memory_space<vmem>>, vector<544x1024xf32>
    %swap3A = arith.constant 0 : index
    %swap3A_2 = arith.constant 0 : index
    %swap3A_3 = vector.load %arg9[%swap3A, %swap3A_2] : memref<544x1024xf32, #tpu.memory_space<vmem>>, vector<544x1024xf32>
    tpu.vector_store %arg9[%swap3A, %swap3A_2], %get3A_1 {strides = array<i32>} : memref<544x1024xf32, #tpu.memory_space<vmem>>, vector<544x1024xf32>,
    %get3A_4 = arith.constant 0 : index
    %get3A_5 = arith.constant 0 : index
    %get3A_6 = vector.load %arg1[%get3A_4, %get3A_5] : memref<544x1024xf32, #tpu.memory_space<vmem>>, vector<544x1024xf32>
    %get3A_7 = arith.constant 0 : index
    %get3A_8 = arith.constant 0 : index
    %get3A_9 = vector.load %arg2[%get3A_7, %get3A_8] : memref<544x1024xbf16, #tpu.memory_space<vmem>>, vector<544x1024xbf16>
    %get3A_10 = arith.constant 0 : index
    %get3A_11 = arith.constant 0 : index
    %get3A_12 = vector.load %arg3[%get3A_10, %get3A_11] : memref<1024x1024xbf16, #tpu.memory_space<vmem>>, vector<1024x1024xbf16>
    %dot_general3A = arith.constant dense<0.000000e+00> : vector<544x1024xf32>
    %dot_general3A_13 = tpu.matmul %get3A_9, %get3A_12, %dot_general3A {dimension_numbers = #tpu.dot_dimension_numbers<[1], [0], [0], [1], [0, 0, 1, 1], [], []>, transpose_lhs_hint = false} : vector<544x1024xbf16>, vector<1024x1024xbf16>, vector<544x1024xf32> -> vector<544x1024xf32>
    %add3A = arith.addf %get3A_6, %dot_general3A_13 : vector<544x1024xf32>
    %get3A_14 = arith.constant 0 : index
    %get3A_15 = arith.constant 0 : index
    %get3A_16 = vector.load %arg6[%get3A_14, %get3A_15] : memref<1x1024xf32, #tpu.memory_space<vmem>>, vector<1x1024xf32>
    %get3A_17 = arith.constant 0 : index
    %get3A_18 = arith.constant 0 : index
    %get3A_19 = vector.load %arg7[%get3A_17, %get3A_18] : memref<1x1024xf32, #tpu.memory_space<vmem>>, vector<1x1024xf32>
    %reduce_sum3A = arith.constant dense<0.000000e+00> : vector<544xf32>
    %reduce_sum3A_20 = vector.multi_reduction <add>, %add3A, %reduce_sum3A [1] : vector<544x1024xf32> to vector<544xf32>
    %broadcast_in_dim3A = vector.shape_cast %reduce_sum3A_20 : vector<544xf32> to vector<544x1xf32>
    %div3A = arith.constant 1.024000e+03 : f32
    %div3A_21 = vector.broadcast %div3A : f32 to vector<544x1xf32>
    %div3A_22 = arith.divf %broadcast_in_dim3A, %div3A_21 : vector<544x1xf32>
    %sub3A = vector.broadcast %div3A_22 : vector<544x1xf32> to vector<544x1024xf32>
    %sub3A_23 = arith.subf %add3A, %sub3A : vector<544x1024xf32>
    %integer_pow3A = arith.mulf %sub3A_23, %sub3A_23 : vector<544x1024xf32>
    %reduce_sum3A_24 = arith.constant dense<0.000000e+00> : vector<544xf32>
    %reduce_sum3A_25 = vector.multi_reduction <add>, %integer_pow3A, %reduce_sum3A_24 [1] : vector<544x1024xf32> to vector<544xf32>
    %broadcast_in_dim3A_26 = vector.shape_cast %reduce_sum3A_25 : vector<544xf32> to vector<544x1xf32>
    %div3A_27 = arith.constant 1.024000e+03 : f32
    %div3A_28 = vector.broadcast %div3A_27 : f32 to vector<544x1xf32>
    %div3A_29 = arith.divf %broadcast_in_dim3A_26, %div3A_28 : vector<544x1xf32>
    %sub3A_30 = vector.broadcast %div3A_22 : vector<544x1xf32> to vector<544x1024xf32>
    %sub3A_31 = arith.subf %add3A, %sub3A_30 : vector<544x1024xf32>
    %add3A_32 = arith.constant 9.99999974E-6 : f32
    %add3A_33 = vector.broadcast %add3A_32 : f32 to vector<544x1xf32>
    %add3A_34 = arith.addf %div3A_29, %add3A_33 : vector<544x1xf32>
    %rsqrt3A = math.rsqrt %add3A_34 : vector<544x1xf32>
    %mul3A = vector.broadcast %rsqrt3A : vector<544x1xf32> to vector<544x1024xf32>
    %mul3A_35 = arith.mulf %sub3A_31, %mul3A : vector<544x1024xf32>
    %mul3A_36 = vector.broadcast %get3A_16 : vector<1x1024xf32> to vector<544x1024xf32>
    %mul3A_37 = arith.mulf %mul3A_35, %mul3A_36 : vector<544x1024xf32>
    %add3A_38 = vector.broadcast %get3A_19 : vector<1x1024xf32> to vector<544x1024xf32>
    %add3A_39 = arith.addf %mul3A_37, %add3A_38 : vector<544x1024xf32>
    %convert_element_type3A = arith.truncf %add3A_39 : vector<544x1024xf32> to vector<544x1024xbf16>
    %get3A_40 = arith.constant 0 : index
    %get3A_41 = arith.constant 0 : index
    %get3A_42 = vector.load %arg4[%get3A_40, %get3A_41] : memref<1024x4096xbf16, #tpu.memory_space<vmem>>, vector<1024x4096xbf16>
    %dot_general3A_43 = arith.constant dense<0.000000e+00> : vector<544x4096xf32>
    %dot_general3A_44 = tpu.matmul %convert_element_type3A, %get3A_42, %dot_general3A_43 {dimension_numbers = #tpu.dot_dimension_numbers<[1], [0], [0], [1], [0, 0, 1, 1], [], []>, transpose_lhs_hint = false} : vector<544x1024xbf16>, vector<1024x4096xbf16>, vector<544x4096xf32> -> vector<544x4096xf32>
    %convert_element_type3A_45 = arith.truncf %dot_general3A_44 : vector<544x4096xf32> to vector<544x4096xbf16>
    %integer_pow3A_46 = arith.mulf %convert_element_type3A_45, %convert_element_type3A_45 : vector<544x4096xbf16>
    %integer_pow3A_47 = arith.mulf %convert_element_type3A_45, %integer_pow3A_46 : vector<544x4096xbf16>
    %mul3A_48 = arith.constant 4.467770e-02 : bf16
    %mul3A_49 = vector.broadcast %mul3A_48 : bf16 to vector<544x4096xbf16>
    %mul3A_50 = arith.mulf %mul3A_49, %integer_pow3A_47 : vector<544x4096xbf16>
    %add3A_51 = arith.addf %convert_element_type3A_45, %mul3A_50 : vector<544x4096xbf16>
    %mul3A_52 = arith.constant 7.968750e-01 : bf16
    %mul3A_53 = vector.broadcast %mul3A_52 : bf16 to vector<544x4096xbf16>
    %mul3A_54 = arith.mulf %mul3A_53, %add3A_51 : vector<544x4096xbf16>
    %tanh3A = math.tanh %mul3A_54 : vector<544x4096xbf16>
    %add3A_55 = arith.constant 1.000000e+00 : bf16
    %add3A_56 = vector.broadcast %add3A_55 : bf16 to vector<544x4096xbf16>
    %add3A_57 = arith.addf %add3A_56, %tanh3A : vector<544x4096xbf16>
    %mul3A_58 = arith.constant 5.000000e-01 : bf16
    %mul3A_59 = vector.broadcast %mul3A_58 : bf16 to vector<544x4096xbf16>
    %mul3A_60 = arith.mulf %mul3A_59, %add3A_57 : vector<544x4096xbf16>
    %mul3A_61 = arith.mulf %convert_element_type3A_45, %mul3A_60 : vector<544x4096xbf16>
    %get3A_62 = arith.constant 0 : index
    %get3A_63 = arith.constant 0 : index
    %get3A_64 = vector.load %arg5[%get3A_62, %get3A_63] : memref<4096x1024xbf16, #tpu.memory_space<vmem>>, vector<4096x1024xbf16>
    %dot_general3A_65 = arith.constant dense<0.000000e+00> : vector<544x1024xf32>
    %dot_general3A_66 = tpu.matmul %mul3A_61, %get3A_64, %dot_general3A_65 {dimension_numbers = #tpu.dot_dimension_numbers<[1], [0], [0], [1], [0, 0, 1, 1], [], []>, transpose_lhs_hint = false} : vector<544x4096xbf16>, vector<4096x1024xbf16>, vector<544x1024xf32> -> vector<544x1024xf32>
    %add3A_67 = arith.addf %add3A, %dot_general3A_66 : vector<544x1024xf32>
    %swap3A_68 = arith.constant 0 : index
    %swap3A_69 = arith.constant 0 : index
    %swap3A_70 = vector.load %arg8[%swap3A_68, %swap3A_69] : memref<544x1024xf32, #tpu.memory_space<vmem>>, vector<544x1024xf32>
    tpu.vector_store %arg8[%swap3A_68, %swap3A_69], %add3A_67 {strides = array<i32>} : memref<544x1024xf32, #tpu.memory_space<vmem>>, vector<544x1024xf32>,
    return
  }
  func.func @transform_0(%arg0: i32) -> (i32, i32) {
    %c0_i32 = arith.constant 0 : i32
    %c0_i32_0 = arith.constant 0 : i32
    return %arg0, %c0_i32 : i32, i32
  }
  func.func @transform_1(%arg0: i32) -> (i32, i32) {
    %c0_i32 = arith.constant 0 : i32
    %c0_i32_0 = arith.constant 0 : i32
    return %arg0, %c0_i32 : i32, i32
  }
  func.func @transform_2(%arg0: i32) -> (i32, i32) {
    %c0_i32 = arith.constant 0 : i32
    %c0_i32_0 = arith.constant 0 : i32
    %c0_i32_1 = arith.constant 0 : i32
    return %c0_i32, %c0_i32_0 : i32, i32
  }
  func.func @transform_3(%arg0: i32) -> (i32, i32) {
    %c0_i32 = arith.constant 0 : i32
    %c0_i32_0 = arith.constant 0 : i32
    %c0_i32_1 = arith.constant 0 : i32
    return %c0_i32, %c0_i32_0 : i32, i32
  }
  func.func @transform_4(%arg0: i32) -> (i32, i32) {
    %c0_i32 = arith.constant 0 : i32
    %c0_i32_0 = arith.constant 0 : i32
    %c0_i32_1 = arith.constant 0 : i32
    return %c0_i32, %c0_i32_0 : i32, i32
  }
  func.func @transform_5(%arg0: i32) -> (i32, i32) {
    %c0_i32 = arith.constant 0 : i32
    %c0_i32_0 = arith.constant 0 : i32
    %c0_i32_1 = arith.constant 0 : i32
    return %c0_i32, %c0_i32_0 : i32, i32
  }
  func.func @transform_6(%arg0: i32) -> (i32, i32) {
    %c0_i32 = arith.constant 0 : i32
    %c0_i32_0 = arith.constant 0 : i32
    %c0_i32_1 = arith.constant 0 : i32
    return %c0_i32, %c0_i32_0 : i32, i32
  }
  func.func @transform_7(%arg0: i32) -> (i32, i32) {
    %c0_i32 = arith.constant 0 : i32
    %c0_i32_0 = arith.constant 0 : i32
    return %arg0, %c0_i32 : i32, i32
  }
  func.func @transform_8(%arg0: i32) -> (i32, i32) {
    %c0_i32 = arith.constant 0 : i32
    %c0_i32_0 = arith.constant 0 : i32
    return %arg0, %c0_i32 : i32, i32
  }
}

</mosaic_0001>

<sc_bundles>
// kernel: kernel.6.cloned.1.call-start
scs
__scs_entry_jumppad:
0x0: {  	(pc) =	sbr.rel $0x88, $3  }
0x1: {  	(tag) =	ssettag $0x0;
	lr =	simm.s32 $0x1  }
0x2: {  	[smem:$0x3F95] =	sst lr;
	_ =	strace $0xD0000000  }
0x3: {  	_ = 	snop  }
0x4: {  	_ = 	snop  }
0x5: {  	_ = 	snop  }
0x6: {  	_ = 	snop  }
0x7: {  	_ = 	snop  }
__scs_overlays_trampoline_lowered:
0x8: {  	[smem:$0x3FA4] =	sst s0  }
0x9: {  	[smem:$0x3FA5] =	sst s1  }
0xa: {  	[smem:$0x3FA6] =	sst s2  }
0xb: {  	[smem:$0x3FA7] =	sst s3  }
0xc: {  	[smem:$0x3FA8] =	sst s4  }
0xd: {  	[smem:$0x3FA9] =	sst s5  }
0xe: {  	[smem:$0x3FAA] =	sst s6  }
0xf: {  	[smem:$0x3FAB] =	sst s7  }
0x10: {  	[smem:$0x3FAC] =	sst s8  }
0x11: {  	[smem:$0x3FAD] =	sst s9;
	s0 =	simm.s32 @!p0 $0x0  }
0x12: {  	s1 =	sld [smem:$0x3F93];
	s0 =	simm.s32 @p0 $0x1  }
0x13: {  	[smem:$0x3FAE] =	sst s0;
	s0 =	simm.s32 @!p1 $0x0  }
0x14: {  	s2 =	sld [smem:$0x3F92];
	s0 =	simm.s32 @p1 $0x1  }
0x15: {  	[smem:$0x3FAF] =	sst s0;
	s0 =	simm.s32 @!p2 $0x0  }
0x16: {  	s3 =	sld [smem:$0x3FDB];
	s0 =	simm.s32 @p2 $0x1  }
0x17: {  	s4 =	simm.s32 $0x1BF5;
	[smem:$0x3FB1] =	sst s0  }
0x18: {  	s0 =	sld [smem:$0x3F94];
	_ =	swait.ge [sflag:s4], $0x0  }
0x19: {  	s7 =	sld [smem:$0x3F95]  }
0x1a: {  	s8 =	sadd.s32 $0xFFFFE003, lr  }
0x1b: {  	s9 =	sadd.s32 $0xFFFFFEF7, lr;
	s5 =	simm.s32 $0xFFFFFFFF;
	p2 =	slt.u32 s8, $0xFFFFF086  }
0x1c: {  	p1 =	slt.u32 s9, $0xF7A;
	s5 =	simm.s32 @!p2 $0x0  }
0x1d: {  	s5 =	simm.s32 @p1 $0x1;
	p0 =	seq.s32 s7, s2  }
0x1e: {  	s7 =	smul.u32 @!p0 $0xF7A, s2;
	p2 =	seq.s32 @!p0 s5, $0x0  }
0x1f: {  	s9 =	smul.u32 $0xF7A, s1;
	s8 =	simm.s32 @!p0 $0x1BF5;
	p2 =	por !p2, p0  }
0x20: {  	[sflag:s8] =	ssyncset.s32 @!p0 $0xFFFFF086;
	s6 =	sadd.s32 @!p0 s3, s7;
	s7 =	simm.s32 @!p0 $0x108  }
0x21: {  	s3 =	sadd.s32 s3, s9;
	s6 =	sadd.s32 @!p0 $0x88, s6;
	s7 =	simm.s32 @p2 $0x1082  }
0x22: {  	[simem:s7], [sflag:s8] =	dma.local @!p0 [hbm:s6], $0xF7A  }
0x23: {  	s9 =	sor.u32 $0xD0000000, s2;
	s6 =	simm.s32 $0x108;
	_ =	swait.ge @!p0 [sflag:s8], $0x0  }
0x24: {  	s3 =	sadd.s32 $0x88, s3;
	s6 =	simm.s32 @!p1 $0x1082;
	[sflag:s4] =	ssyncset.s32 $0xFFFFF086  }
0x25: {  	[simem:s6], [sflag:s4] =	dma.local [hbm:s3], $0xF7A  }
0x26: {  	[smem:$0x3F95] =	sst s1;
	(tag) =	ssettag s2;
	_ =	strace s9  }
0x27: {  	s1 =	sld [smem:$0x3FA5]  }
0x28: {  	s2 =	sld [smem:$0x3FA6]  }
0x29: {  	s4 =	sld [smem:$0x3FA8]  }
0x2a: {  	p0 =	seq.s32 s5, $0x0;
	s5 =	sld [smem:$0x3FA9]  }
0x2b: {  	s6 =	sld [smem:$0x3FAA]  }
0x2c: {  	s7 =	sld [smem:$0x3FAB]  }
0x2d: {  	s3 =	simm.s32 $0x108;
	s8 =	sld [smem:$0x3FAC]  }
0x2e: {  	s3 =	simm.s32 @!p0 $0x1082;
	s9 =	sld [smem:$0x3FAD]  }
0x2f: {  	lr =	sadd.s32 s0, s3;
	s0 =	sld [smem:$0x3FA4]  }
0x30: {  	s3 =	sld [smem:$0x3FA7]  }
0x31: {  	[smem:$0x3FB0] =	sst s10  }
0x32: {  	s10 =	sld [smem:$0x3FAE];
	_ =	sdelay $0x3  }
0x33: {  	p0 =	seq.s32 s10, $0x1;
	s10 =	sld [smem:$0x3FB0];
	_ =	sdelay $0x3  }
0x34: {  	[smem:$0x3FB0] =	sst s10  }
0x35: {  	s10 =	sld [smem:$0x3FAF];
	_ =	sdelay $0x3  }
0x36: {  	p1 =	seq.s32 s10, $0x1;
	s10 =	sld [smem:$0x3FB0];
	_ =	sdelay $0x3  }
0x37: {  	[smem:$0x3FB0] =	sst s10  }
0x38: {  	s10 =	sld [smem:$0x3FB1]  }
0x39: {  	_ = 	snop;
	(pc) =	sbr.ind lr, $3  }
0x3a: {  	_ = 	snop  }
0x3b: {  	_ = 	snop  }
0x3c: {  	p2 =	seq.s32 s10, $0x1;
	s10 =	sld [smem:$0x3FB0]  }
0x3d: {  	_ =	shalt  }
0x3e: {  	_ =	shalt  }
0x3f: {  	_ =	shalt  }
0x40: {  	_ =	shalt  }
0x41: {  	_ =	shalt  }
0x42: {  	_ =	shalt  }
0x43: {  	_ =	shalt  }
0x44: {  	_ =	shalt  }
0x45: {  	_ =	shalt  }
0x46: {  	_ =	shalt  }
0x47: {  	_ =	shalt  }
0x48: {  	_ =	shalt  }
0x49: {  	_ =	shalt  }
0x4a: {  	_ =	shalt  }
0x4b: {  	_ =	shalt  }
0x4c: {  	_ =	shalt  }
0x4d: {  	_ =	shalt  }
0x4e: {  	_ =	shalt  }
0x4f: {  	_ =	shalt  }
0x50: {  	_ =	shalt  }
0x51: {  	_ =	shalt  }
0x52: {  	_ =	shalt  }
0x53: {  	_ =	shalt  }
0x54: {  	_ =	shalt  }
0x55: {  	_ =	shalt  }
0x56: {  	_ =	shalt  }
0x57: {  	_ =	shalt  }
0x58: {  	_ =	shalt  }
0x59: {  	_ =	shalt  }
0x5a: {  	_ =	shalt  }
0x5b: {  	_ =	shalt  }
0x5c: {  	_ =	shalt  }
0x5d: {  	_ =	shalt  }
0x5e: {  	_ =	shalt  }
0x5f: {  	_ =	shalt  }
0x60: {  	_ =	shalt  }
0x61: {  	_ =	shalt  }
0x62: {  	_ =	shalt  }
0x63: {  	_ =	shalt  }
0x64: {  	_ =	shalt  }
0x65: {  	_ =	shalt  }
0x66: {  	_ =	shalt  }
0x67: {  	_ =	shalt  }
0x68: {  	_ =	shalt  }
0x69: {  	_ =	shalt  }
0x6a: {  	_ =	shalt  }
0x6b: {  	_ =	shalt  }
0x6c: {  	_ =	shalt  }
0x6d: {  	_ =	shalt  }
0x6e: {  	_ =	shalt  }
0x6f: {  	_ =	shalt  }
0x70: {  	_ =	shalt  }
0x71: {  	_ =	shalt  }
0x72: {  	_ =	shalt  }
0x73: {  	_ =	shalt  }
0x74: {  	_ =	shalt  }
0x75: {  	_ =	shalt  }
0x76: {  	_ =	shalt  }
0x77: {  	_ =	shalt  }
0x78: {  	_ =	shalt  }
0x79: {  	_ =	shalt  }
0x7a: {  	_ =	shalt  }
0x7b: {  	_ =	shalt  }
0x7c: {  	_ =	shalt  }
0x7d: {  	_ =	shalt  }
0x7e: {  	_ =	shalt  }
0x7f: {  	_ =	shalt  }
0x80: {  	_ =	shalt  }
0x81: {  	_ =	shalt  }
0x82: {  	_ =	shalt  }
0x83: {  	_ =	shalt  }
0x84: {  	_ =	shalt  }
0x85: {  	_ =	shalt  }
0x86: {  	_ =	shalt  }
0x87: {  	_ =	shalt  }
.Lfunc_end0:
.L_simem_size_0:
called_computation_lowered:
.L_overlay_start_0:
0x88: {  	s2 =	sld [smem:$0x3FD9]  }
0x89: {  	s3 =	sld [smem:$0x3FFE];
	_ =	sdelay $0x1  }
0x8a: {  	s1 =	srdreg.scid  }
0x8b: {  	s0 =	sand.u32 $0x1, s1  }
0x8c: {  	s14 =	sshll.u32 s0, $0xA;
	s2 =	sadd.s32 s3, s2  }
0x8d: {  	s2 =	sadd.s32 s2, s14  }
0x8e: {  	[smem:$0x3FBC] =	sst s2  }
0x8f: {  	_ = 	snop  }
0x90: {  	s2 =	sld [smem:$0x3FD0];
	_ =	sdelay $0x2  }
0x91: {  	s4 =	simm.s32 $0xA;
	s5 =	simm.s32 $0x10;
	s15 =	sld [smem:$0x3FC8]  }
0x92: {  	[smem:s5], [sflag:s4] =	dma.local [hbm:s2], $0x1  }
0x93: {  	_ =	swait.eq [sflag:s4], $0x1  }
0x94: {  	[sflag:s4] =	ssyncset.done $0x0  }
0x95: {  	[sflag:s4] =	ssyncadd.s32 $0xFFFFFFFF  }
0x96: {  	s16 =	sld [smem:$0x11];
	(tm) =	ssettm $0x1  }
0x97: {  	s17 =	sld [smem:$0x3FFB];
	_ =	sdelay $0x3  }
0x98: {  	_ =	strace s17  }
0x99: {  	s4 =	sld [smem:$0x3FFC];
	_ =	sdelay $0x3  }
0x9a: {  	_ =	strace s4  }
0x9b: {  	s4 =	sld [smem:$0x3FFD];
	_ =	sdelay $0x3  }
0x9c: {  	_ =	strace s4  }
0x9d: {  	_ =	strace $0x8FFFFFFF  }
0x9e: {  	s18 =	sld [smem:$0x3FDB];
	_ =	sdelay $0x1  }
0x9f: {  	s19 =	simm.s32 $_scs_section_size  }
0xa0: {  	s6 =	simm.s32 $_size__tile_overlayer_lowered;
	s7 =	simm.s32 $_tile_overlayer_lowered  }
0xa1: {  	s22 =	simm.s32 $0x1BFF;
	s21 =	sshll.u32 s7, $0x1;
	s4 =	sadd.s32 s19, s18  }
0xa2: {  	s8 =	simm.s32 $0x0;
	s20 =	sshll.u32 s6, $0x1;
	s6 =	sadd.s32 s21, s4  }
0xa3: {  	[timem:s8], [sflag:s22] =	dma.local [hbm:s6], s20  }
0xa4: {  	_ =	swait.ge [sflag:s22], s20  }
0xa5: {  	s5 =	ssub.s32 $0x0, s20;
	[sflag:s22] =	ssyncset.done $0x0  }
0xa6: {  	[sflag:s22] =	ssyncadd.s32 s5;
	_ =	sdelay $0x1  }
0xa7: {  	s23 =	simm.s32 $0x1B8B  }
0xa8: {  	_ =	swait.ge [sflag:s23], $0x1  }
0xa9: {  	[sflag:s23] =	ssyncset.done $0x0  }
0xaa: {  	s25 =	simm.s32 $0x1B8E;
	s24 =	sld [smem:$0x3FFE];
	[sflag:s23] =	ssyncadd.s32 $0xFFFFFFFF  }
0xab: {  	s26 =	simm.s32 $execute0_lowered;
	[smem:$0x3FD2] =	sst s25  }
0xac: {  	s6 =	sshll.u32 s26, $0x1;
	_ =	strace $0x80000046;
	[dreg:$0x1] =	wrdreg $0xFFFFFFFF  }
0xad: {  	s28 =	simm.s32 $_size_execute0_lowered;
	s4 =	sadd.s32 s4, s6;
	[dreg:$0x0] =	wrdreg $0x0  }
0xae: {  	s6 =	sshll.u32 s28, $0x1;
	[dreg:$0x2] =	wrdreg s4  }
0xaf: {  	[dreg:$0x3] =	wrdreg s6  }
0xb0: {  	[dreg:$0x4] =	wrdreg $0xC0  }
0xb1: {  	_ =	task [dreg:s8], $0x5FFFF  }
0xb2: {  	[dreg:$0x1] =	wrdreg $0xFFFFFFFF  }
0xb3: {  	[dreg:$0x0] =	wrdreg $0x60  }
0xb4: {  	[dreg:$0x2] =	wrdreg s15  }
0xb5: {  	[dreg:$0x3] =	wrdreg s16  }
0xb6: {  	[dreg:$0x4] =	wrdreg s24  }
0xb7: {  	[dreg:$0x5] =	wrdreg $0x9  }
0xb8: {  	_ =	task.clear_ibuf [dreg:s8], $0x6FFFF;
	_ =	strace $0x90000046  }
0xb9: {  	s29 =	simm.s32 $0x9;
	_ =	strace $0x80000048  }
0xba: {  	_ =	swait.ge [sflag:s29], $0x1  }
0xbb: {  	[sflag:s29] =	ssyncadd.s32 $0xFFFFFFFF  }
0xbc: {  	_ =	strace $0x90000048  }
0xbd: {  	_ =	sfence  }
0xbe: {  	s30 =	sld [smem:$0x0];
	_ =	sdelay $0x2  }
0xbf: {  	s31 =	sshll.u32 s1, $0xD;
	s1 =	sshrl.u32 s1, $0x2  }
0xc0: {  	s3 =	sand.u32 $0x4000, s31;
	s1 =	sadd.s32 s1, s30  }
0xc1: {  	s0 =	sor.u32 s3, s0;
	s1 =	sshll.u32 s1, $0x11  }
0xc2: {  	s0 =	sor.u32 s1, s0  }
0xc3: {  	s0 =	sadd.s32 $0x8F2B, s0  }
0xc4: {  	[sflag:s0] =	ssyncadd.remote.s32 $0x1  }
0xc5: {  	_ =	sfence.sel $0xFFFF  }
0xc6: {  	[dreg:$0x0] =	wrdreg $0xFFFFFFFF;
	(pc) =	sbr.abs _section_cstart, $3  }
0xc7: {  	[dreg:$0x1] =	wrdreg $0xFFFFFFFF  }
0xc8: {  	_ =	task.clear_ibuf [dreg:s8], $0x2FFFF;
	_ =	strace $0x9FFFFFFF  }
0xc9: {  	(tm) =	ssettm $0x7FFFFFFF  }
tec
execute0_lowered:
.L_overlay_start_1:
0x0: {  	(tag) =	ssettag $0x1  }
0x1: {  	s1 =	rddreg [dreg:$0x0];
	s0 =	srdreg.scid  }
0x2: {  	s12 =	stileid.u32;
	s2 =	rddreg [dreg:$0x1]  }
0x3: {  	s4 =	rddreg [dreg:$0x2];
	s13 =	simm.s32 $0x80;
	s14 =	simm.s32 $0x880  }
0x4: {  	s15 =	simm.s32 $0x1080;
	s16 =	simm.s32 $0x1880;
	s17 =	simm.s32 $0x2080  }
0x5: {  	s18 =	simm.s32 $0x2880;
	s19 =	simm.s32 $0x3080;
	s20 =	simm.s32 $0x3880  }
0x6: {  	s21 =	simm.s32 $0x4080;
	s22 =	simm.s32 $0x4880;
	s23 =	simm.s32 $0x5080  }
0x7: {  	s28 =	simm.s32 $0x7080;
	s29 =	simm.s32 $0x7880;
	s30 =	simm.s32 $0x8080  }
0x8: {  	s31 =	simm.s32 $0x8880;
	s0 =	sand.u32 $0x1, s0;
	s3 =	sshll.u32 s12, $0x1  }
0x9: {  	s4 =	sadd.s32 $0x1A00, s4;
	p0 =	sgt.u32 s12, $0xD;
	s6 =	sor.u32 s0, s3  }
0xa: {  	s12 =	simm.s32 $0x2;
	s3 =	simm.s32 $0x0;
	s5 =	smul.u32 $0x28, s6  }
0xb: {  	s0 =	ssub.s32 $0x2, s0;
	[smem:$0x7FF] =	sst s3;
	s9 =	smul.u32 $0x9, s6  }
0xc: {  	s24 =	sshrl.u32 s0, $0x1;
	s10 =	smul.u32 $0x2400, s6;
	s6 =	sadd.s32 $0x200, s1  }
0xd: {  	_ =	strace $0x80000047;
	s0 =	ssub.s32 s0, s24;
	s24 =	simm.s32 $0x5880  }
0xe: {  	s7 =	sadd.s32 $0x380, s5;
	s5 =	sadd.s32 $0x100, s1;
	s9 =	sadd.s32 s2, s9  }
.Ltmp0:
0xf: {  	s10 =	sadd.s32 s4, s10;
	s11 =	smax.u32 s0, $0x1;
	(pc) =	sbr.rel .LBB2_1-.Ltmp0, $4  }
0x10: {  	s0 =	simm.s32 $0x9880;
	s8 =	sshrl.u32 s7, $0x3;
	s26 =	sshll.u32 s7, $0x7  }
0x11: {  	v2 =	vlaneseq.u32;
	s7 =	sadd.s32 $0x300, s1;
	s25 =	sadd.s32 s2, s8;
	s8 =	sadd.s32 s4, s26  }
0x12: {  	vm0 =	vmmov $0xffff;
	v1 =	vshrl.u32 v2, $0x3;
	s26 =	simm.s32 $0x6880;
	s2 =	simm.s32 $0x9080;
	[dreg:$0x4] =	wrdreg s25  }
0x13: {  	v0 =	vand.u32 $0x7, v2;
	v2 =	vor.u32 $0x8, v2;
	v1 =	vmul.u32 $0x8, v1;
	s4 =	simm.s32 $0x1;
	[dreg:$0x5] =	wrdreg s8;
	s25 =	simm.s32 $0x6080  }
.LBB2_3:
0x14: {  	s8 =	rddreg [dreg:$0x4]  }
0x15: {  	[tilespmem:s3], [sflag:$0x2] =	stream.linear.gather [hbm4b:s8+s3], $0x28, $0x38;
	[tilespmem:$0x12080] =	vst v63  }
0x16: {  	_ =	swait.ge [sflag:s12], $0x28  }
0x17: {  	[sflag:s12] =	ssyncset.done $0x0  }
0x18: {  	[sflag:s12] =	ssyncadd.s32 $0xFFFFFFD8  }
0x19: {  	v3 =	vld [tilespmem:$0x0];
	_ =	sdelay $0x4  }
0x1a: {  	v4 =	vshll.u32 v3, $0x3  }
0x1b: {  	v3 =	vand.u32 $0x7, v3;
	v4 =	vand.u32 $0xFFFFFFC0, v4  }
0x1c: {  	v3 =	vor.u32 v3, v4  }
0x1d: {  	v4 =	vperm.xlane v3, v0;
	_ =	sdelay $0x1  }
0x1e: {  	v4 =	vadd.s32 v1, v4;
	_ =	sdelay $0x4  }
0x1f: {  	[tilespmem:s13], [sflag:$0x1] =	stream.indirect_vreg.gather [hbm4b:s1+s3], $0x80, v4, vm0, $0xb8;
	[tilespmem:$0x12080] =	vst v63  }
0x20: {  	v3 =	vperm.xlane v3, v2  }
0x21: {  	[tilespmem:s14], [sflag:$0x1] =	stream.indirect_vreg.gather [hbm4b:s5+s3], $0x80, v4, vm0, $0xb8;
	[tilespmem:$0x12080] =	vst v63  }
0x22: {  	v3 =	vadd.s32 v1, v3  }
0x23: {  	[tilespmem:s15], [sflag:$0x1] =	stream.indirect_vreg.gather [hbm4b:s6+s3], $0x80, v4, vm0, $0xb8;
	[tilespmem:$0x12080] =	vst v63  }
0x24: {  	_ = 	snop  }
0x25: {  	[tilespmem:s16], [sflag:$0x1] =	stream.indirect_vreg.gather [hbm4b:s7+s3], $0x80, v4, vm0, $0xb8;
	[tilespmem:$0x12080] =	vst v63  }
0x26: {  	_ = 	snop  }
0x27: {  	[tilespmem:s17], [sflag:$0x1] =	stream.indirect_vreg.gather [hbm4b:s1+s3], $0x80, v3, vm0, $0xb8;
	[tilespmem:$0x12080] =	vst v63  }
0x28: {  	_ = 	snop  }
0x29: {  	[tilespmem:s18], [sflag:$0x1] =	stream.indirect_vreg.gather [hbm4b:s5+s3], $0x80, v3, vm0, $0xb8;
	[tilespmem:$0x12080] =	vst v63  }
0x2a: {  	_ = 	snop  }
0x2b: {  	[tilespmem:s19], [sflag:$0x1] =	stream.indirect_vreg.gather [hbm4b:s6+s3], $0x80, v3, vm0, $0xb8;
	[tilespmem:$0x12080] =	vst v63  }
0x2c: {  	_ = 	snop  }
0x2d: {  	[tilespmem:s20], [sflag:$0x1] =	stream.indirect_vreg.gather [hbm4b:s7+s3], $0x80, v3, vm0, $0xb8;
	[tilespmem:$0x12080] =	vst v63  }
0x2e: {  	v3 =	vld [tilespmem:$0x10];
	_ =	sdelay $0x4  }
0x2f: {  	v62 =	vshll.u32 v3, $0x3  }
0x30: {  	v3 =	vand.u32 $0x7, v3;
	v4 =	vand.u32 $0xFFFFFFC0, v62  }
0x31: {  	v3 =	vor.u32 v3, v4  }
0x32: {  	v4 =	vperm.xlane v3, v0;
	_ =	sdelay $0x1  }
0x33: {  	v4 =	vadd.s32 v1, v4;
	_ =	sdelay $0x4  }
0x34: {  	[tilespmem:s21], [sflag:$0x1] =	stream.indirect_vreg.gather [hbm4b:s1+s3], $0x80, v4, vm0, $0xb8;
	[tilespmem:$0x12080] =	vst v63  }
0x35: {  	v3 =	vperm.xlane v3, v2  }
0x36: {  	[tilespmem:s22], [sflag:$0x1] =	stream.indirect_vreg.gather [hbm4b:s5+s3], $0x80, v4, vm0, $0xb8;
	[tilespmem:$0x12080] =	vst v63  }
0x37: {  	v3 =	vadd.s32 v1, v3  }
0x38: {  	[tilespmem:s23], [sflag:$0x1] =	stream.indirect_vreg.gather [hbm4b:s6+s3], $0x80, v4, vm0, $0xb8;
	[tilespmem:$0x12080] =	vst v63  }
0x39: {  	_ = 	snop  }
0x3a: {  	[tilespmem:s24], [sflag:$0x1] =	stream.indirect_vreg.gather [hbm4b:s7+s3], $0x80, v4, vm0, $0xb8;
	[tilespmem:$0x12080] =	vst v63  }
0x3b: {  	_ = 	snop  }
0x3c: {  	[tilespmem:s25], [sflag:$0x1] =	stream.indirect_vreg.gather [hbm4b:s1+s3], $0x80, v3, vm0, $0xb8;
	[tilespmem:$0x12080] =	vst v63  }
0x3d: {  	_ = 	snop  }
0x3e: {  	[tilespmem:s26], [sflag:$0x1] =	stream.indirect_vreg.gather [hbm4b:s5+s3], $0x80, v3, vm0, $0xb8;
	[tilespmem:$0x12080] =	vst v63  }
0x3f: {  	_ = 	snop  }
0x40: {  	[tilespmem:s28], [sflag:$0x1] =	stream.indirect_vreg.gather [hbm4b:s6+s3], $0x80, v3, vm0, $0xb8;
	[tilespmem:$0x12080] =	vst v63  }
0x41: {  	_ = 	snop  }
0x42: {  	[tilespmem:s29], [sflag:$0x1] =	stream.indirect_vreg.gather [hbm4b:s7+s3], $0x80, v3, vm0, $0xb8;
	[tilespmem:$0x12080] =	vst v63  }
0x43: {  	v3 =	vld.msk [tilespmem:$0x20], $0xff;
	_ =	sdelay $0x4  }
0x44: {  	v63 =	vshll.u32 v3, $0x3  }
0x45: {  	v3 =	vand.u32 $0x7, v3;
	v4 =	vand.u32 $0xFFFFFFC0, v63  }
0x46: {  	v3 =	vor.u32 v3, v4  }
0x47: {  	v3 =	vperm.xlane v3, v0;
	_ =	sdelay $0x1  }
0x48: {  	v3 =	vadd.s32 v1, v3;
	_ =	sdelay $0x4  }
0x49: {  	[tilespmem:s30], [sflag:$0x1] =	stream.indirect_vreg.gather [hbm4b:s1+s3], $0x80, v3, vm0, $0xb8;
	[tilespmem:$0x12080] =	vst v63  }
0x4a: {  	_ = 	snop  }
0x4b: {  	[tilespmem:s31], [sflag:$0x1] =	stream.indirect_vreg.gather [hbm4b:s5+s3], $0x80, v3, vm0, $0xb8;
	[tilespmem:$0x12080] =	vst v63  }
0x4c: {  	_ = 	snop  }
0x4d: {  	[tilespmem:s2], [sflag:$0x1] =	stream.indirect_vreg.gather [hbm4b:s6+s3], $0x80, v3, vm0, $0xb8;
	[tilespmem:$0x12080] =	vst v63  }
0x4e: {  	_ = 	snop  }
0x4f: {  	[tilespmem:s0], [sflag:$0x1] =	stream.indirect_vreg.gather [hbm4b:s7+s3], $0x80, v3, vm0, $0xb8;
	[tilespmem:$0x12080] =	vst v63  }
0x50: {  	_ =	swait.ge [sflag:s4], $0xA000  }
0x51: {  	[sflag:s4] =	ssyncset.done $0x0  }
0x52: {  	s8 =	rddreg [dreg:$0x5];
	[sflag:s4] =	ssyncadd.s32 $0xFFFF6000  }
0x53: {  	[hbm4b:s8+s3] =	stream.linear.scatter [tilespmem:s13], [sflag:$0x2], $0xA000, $0x38;
	[tilespmem:$0x12080] =	vst v63  }
0x54: {  	_ =	swait.ge [sflag:s12], $0xA000  }
0x55: {  	[sflag:s12] =	ssyncset.done $0x0  }
0x56: {  	[sflag:s12] =	ssyncadd.s32 $0xFFFF6000  }
.LBB2_4:
0x57: {  	s11 =	sadd.s32 $0xFFFFFFFF, s11  }
0x58: {  	p1 =	sne.s32 s11, $0x0  }
.Ltmp1:
0x59: {  	_ = 	snop;
	(pc) =	sbr.rel @!p1 .LBB2_5-.Ltmp1, $1  }
0x5a: {  	_ =	sdelay $0x3  }
.LBB2_1:
.Ltmp2:
0x5b: {  	(pc) =	sbr.rel @p0 .LBB2_3-.Ltmp2, $1  }
0x5c: {  	_ =	sdelay $0x3  }
0x5d: {  	[tilespmem:s3], [sflag:$0x2] =	stream.linear.gather [hbm4b:s9+s3], $0x48, $0x38;
	[tilespmem:$0x12080] =	vst v63  }
0x5e: {  	_ =	swait.ge [sflag:s12], $0x48  }
0x5f: {  	[sflag:s12] =	ssyncset.done $0x0  }
0x60: {  	[sflag:s12] =	ssyncadd.s32 $0xFFFFFFB8  }
0x61: {  	v3 =	vld [tilespmem:$0x0];
	_ =	sdelay $0x4  }
0x62: {  	v4 =	vshll.u32 v3, $0x3  }
0x63: {  	v3 =	vand.u32 $0x7, v3;
	v4 =	vand.u32 $0xFFFFFFC0, v4  }
0x64: {  	v3 =	vor.u32 v3, v4  }
0x65: {  	v4 =	vperm.xlane v3, v0;
	_ =	sdelay $0x1  }
0x66: {  	v4 =	vadd.s32 v1, v4;
	_ =	sdelay $0x4  }
0x67: {  	[tilespmem:s13], [sflag:$0x1] =	stream.indirect_vreg.gather [hbm4b:s1+s3], $0x80, v4, vm0, $0xb8;
	[tilespmem:$0x12080] =	vst v63  }
0x68: {  	v3 =	vperm.xlane v3, v2  }
0x69: {  	[tilespmem:s14], [sflag:$0x1] =	stream.indirect_vreg.gather [hbm4b:s5+s3], $0x80, v4, vm0, $0xb8;
	[tilespmem:$0x12080] =	vst v63  }
0x6a: {  	v3 =	vadd.s32 v1, v3  }
0x6b: {  	[tilespmem:s15], [sflag:$0x1] =	stream.indirect_vreg.gather [hbm4b:s6+s3], $0x80, v4, vm0, $0xb8;
	[tilespmem:$0x12080] =	vst v63  }
0x6c: {  	_ = 	snop  }
0x6d: {  	[tilespmem:s16], [sflag:$0x1] =	stream.indirect_vreg.gather [hbm4b:s7+s3], $0x80, v4, vm0, $0xb8;
	[tilespmem:$0x12080] =	vst v63  }
0x6e: {  	_ = 	snop  }
0x6f: {  	[tilespmem:s17], [sflag:$0x1] =	stream.indirect_vreg.gather [hbm4b:s1+s3], $0x80, v3, vm0, $0xb8;
	[tilespmem:$0x12080] =	vst v63  }
0x70: {  	_ = 	snop  }
0x71: {  	[tilespmem:s18], [sflag:$0x1] =	stream.indirect_vreg.gather [hbm4b:s5+s3], $0x80, v3, vm0, $0xb8;
	[tilespmem:$0x12080] =	vst v63  }
0x72: {  	_ = 	snop  }
0x73: {  	[tilespmem:s19], [sflag:$0x1] =	stream.indirect_vreg.gather [hbm4b:s6+s3], $0x80, v3, vm0, $0xb8;
	[tilespmem:$0x12080] =	vst v63  }
0x74: {  	_ = 	snop  }
0x75: {  	[tilespmem:s20], [sflag:$0x1] =	stream.indirect_vreg.gather [hbm4b:s7+s3], $0x80, v3, vm0, $0xb8;
	[tilespmem:$0x12080] =	vst v63  }
0x76: {  	v3 =	vld [tilespmem:$0x10];
	_ =	sdelay $0x4  }
0x77: {  	v60 =	vshll.u32 v3, $0x3  }
0x78: {  	v3 =	vand.u32 $0x7, v3;
	v4 =	vand.u32 $0xFFFFFFC0, v60  }
0x79: {  	v3 =	vor.u32 v3, v4  }
0x7a: {  	v4 =	vperm.xlane v3, v0;
	_ =	sdelay $0x1  }
0x7b: {  	v4 =	vadd.s32 v1, v4;
	_ =	sdelay $0x4  }
0x7c: {  	[tilespmem:s21], [sflag:$0x1] =	stream.indirect_vreg.gather [hbm4b:s1+s3], $0x80, v4, vm0, $0xb8;
	[tilespmem:$0x12080] =	vst v63  }
0x7d: {  	v3 =	vperm.xlane v3, v2  }
0x7e: {  	[tilespmem:s22], [sflag:$0x1] =	stream.indirect_vreg.gather [hbm4b:s5+s3], $0x80, v4, vm0, $0xb8;
	[tilespmem:$0x12080] =	vst v63  }
0x7f: {  	v3 =	vadd.s32 v1, v3  }
0x80: {  	[tilespmem:s23], [sflag:$0x1] =	stream.indirect_vreg.gather [hbm4b:s6+s3], $0x80, v4, vm0, $0xb8;
	[tilespmem:$0x12080] =	vst v63  }
0x81: {  	_ = 	snop  }
0x82: {  	[tilespmem:s24], [sflag:$0x1] =	stream.indirect_vreg.gather [hbm4b:s7+s3], $0x80, v4, vm0, $0xb8;
	[tilespmem:$0x12080] =	vst v63  }
0x83: {  	_ = 	snop  }
0x84: {  	[tilespmem:s25], [sflag:$0x1] =	stream.indirect_vreg.gather [hbm4b:s1+s3], $0x80, v3, vm0, $0xb8;
	[tilespmem:$0x12080] =	vst v63  }
0x85: {  	_ = 	snop  }
0x86: {  	[tilespmem:s26], [sflag:$0x1] =	stream.indirect_vreg.gather [hbm4b:s5+s3], $0x80, v3, vm0, $0xb8;
	[tilespmem:$0x12080] =	vst v63  }
0x87: {  	_ = 	snop  }
0x88: {  	[tilespmem:s28], [sflag:$0x1] =	stream.indirect_vreg.gather [hbm4b:s6+s3], $0x80, v3, vm0, $0xb8;
	[tilespmem:$0x12080] =	vst v63  }
0x89: {  	_ = 	snop  }
0x8a: {  	[tilespmem:s29], [sflag:$0x1] =	stream.indirect_vreg.gather [hbm4b:s7+s3], $0x80, v3, vm0, $0xb8;
	[tilespmem:$0x12080] =	vst v63  }
0x8b: {  	v3 =	vld [tilespmem:$0x20];
	_ =	sdelay $0x4  }
0x8c: {  	v61 =	vshll.u32 v3, $0x3  }
0x8d: {  	v3 =	vand.u32 $0x7, v3;
	v4 =	vand.u32 $0xFFFFFFC0, v61  }
0x8e: {  	v3 =	vor.u32 v3, v4  }
0x8f: {  	v4 =	vperm.xlane v3, v0;
	_ =	sdelay $0x1  }
0x90: {  	v4 =	vadd.s32 v1, v4;
	_ =	sdelay $0x4  }
0x91: {  	[tilespmem:s30], [sflag:$0x1] =	stream.indirect_vreg.gather [hbm4b:s1+s3], $0x80, v4, vm0, $0xb8;
	[tilespmem:$0x12080] =	vst v63  }
0x92: {  	v3 =	vperm.xlane v3, v2  }
0x93: {  	[tilespmem:s31], [sflag:$0x1] =	stream.indirect_vreg.gather [hbm4b:s5+s3], $0x80, v4, vm0, $0xb8;
	[tilespmem:$0x12080] =	vst v63  }
0x94: {  	v3 =	vadd.s32 v1, v3  }
0x95: {  	[tilespmem:s2], [sflag:$0x1] =	stream.indirect_vreg.gather [hbm4b:s6+s3], $0x80, v4, vm0, $0xb8;
	[tilespmem:$0x12080] =	vst v63  }
0x96: {  	_ = 	snop  }
0x97: {  	[tilespmem:s0], [sflag:$0x1] =	stream.indirect_vreg.gather [hbm4b:s7+s3], $0x80, v4, vm0, $0xb8;
	[tilespmem:$0x12080] =	vst v63  }
0x98: {  	s8 =	simm.s32 $0xA080  }
0x99: {  	[tilespmem:s8], [sflag:$0x1] =	stream.indirect_vreg.gather [hbm4b:s1+s3], $0x80, v3, vm0, $0xb8;
	[tilespmem:$0x12080] =	vst v63  }
0x9a: {  	s8 =	simm.s32 $0xA880  }
0x9b: {  	[tilespmem:s8], [sflag:$0x1] =	stream.indirect_vreg.gather [hbm4b:s5+s3], $0x80, v3, vm0, $0xb8;
	[tilespmem:$0x12080] =	vst v63  }
0x9c: {  	s8 =	simm.s32 $0xB080  }
0x9d: {  	[tilespmem:s8], [sflag:$0x1] =	stream.indirect_vreg.gather [hbm4b:s6+s3], $0x80, v3, vm0, $0xb8;
	[tilespmem:$0x12080] =	vst v63  }
0x9e: {  	s8 =	simm.s32 $0xB880  }
0x9f: {  	[tilespmem:s8], [sflag:$0x1] =	stream.indirect_vreg.gather [hbm4b:s7+s3], $0x80, v3, vm0, $0xb8;
	[tilespmem:$0x12080] =	vst v63  }
0xa0: {  	v3 =	vld [tilespmem:$0x30];
	_ =	sdelay $0x4  }
0xa1: {  	v62 =	vshll.u32 v3, $0x3  }
0xa2: {  	v3 =	vand.u32 $0x7, v3;
	v4 =	vand.u32 $0xFFFFFFC0, v62  }
0xa3: {  	v3 =	vor.u32 v3, v4  }
0xa4: {  	v4 =	vperm.xlane v3, v0;
	_ =	sdelay $0x1  }
0xa5: {  	v4 =	vadd.s32 v1, v4;
	_ =	sdelay $0x3  }
0xa6: {  	s8 =	simm.s32 $0xC080  }
0xa7: {  	[tilespmem:s8], [sflag:$0x1] =	stream.indirect_vreg.gather [hbm4b:s1+s3], $0x80, v4, vm0, $0xb8;
	[tilespmem:$0x12080] =	vst v63  }
0xa8: {  	v3 =	vperm.xlane v3, v2;
	s8 =	simm.s32 $0xC880  }
0xa9: {  	[tilespmem:s8], [sflag:$0x1] =	stream.indirect_vreg.gather [hbm4b:s5+s3], $0x80, v4, vm0, $0xb8;
	[tilespmem:$0x12080] =	vst v63  }
0xaa: {  	v3 =	vadd.s32 v1, v3;
	s8 =	simm.s32 $0xD080  }
0xab: {  	[tilespmem:s8], [sflag:$0x1] =	stream.indirect_vreg.gather [hbm4b:s6+s3], $0x80, v4, vm0, $0xb8;
	[tilespmem:$0x12080] =	vst v63  }
0xac: {  	s8 =	simm.s32 $0xD880  }
0xad: {  	[tilespmem:s8], [sflag:$0x1] =	stream.indirect_vreg.gather [hbm4b:s7+s3], $0x80, v4, vm0, $0xb8;
	[tilespmem:$0x12080] =	vst v63  }
0xae: {  	s8 =	simm.s32 $0xE080  }
0xaf: {  	[tilespmem:s8], [sflag:$0x1] =	stream.indirect_vreg.gather [hbm4b:s1+s3], $0x80, v3, vm0, $0xb8;
	[tilespmem:$0x12080] =	vst v63  }
0xb0: {  	s8 =	simm.s32 $0xE880  }
0xb1: {  	[tilespmem:s8], [sflag:$0x1] =	stream.indirect_vreg.gather [hbm4b:s5+s3], $0x80, v3, vm0, $0xb8;
	[tilespmem:$0x12080] =	vst v63  }
0xb2: {  	s8 =	simm.s32 $0xF080  }
0xb3: {  	[tilespmem:s8], [sflag:$0x1] =	stream.indirect_vreg.gather [hbm4b:s6+s3], $0x80, v3, vm0, $0xb8;
	[tilespmem:$0x12080] =	vst v63  }
0xb4: {  	s8 =	simm.s32 $0xF880  }
0xb5: {  	[tilespmem:s8], [sflag:$0x1] =	stream.indirect_vreg.gather [hbm4b:s7+s3], $0x80, v3, vm0, $0xb8;
	[tilespmem:$0x12080] =	vst v63  }
0xb6: {  	v3 =	vld.msk [tilespmem:$0x40], $0xff;
	_ =	sdelay $0x4  }
0xb7: {  	v63 =	vshll.u32 v3, $0x3  }
0xb8: {  	v3 =	vand.u32 $0x7, v3;
	v4 =	vand.u32 $0xFFFFFFC0, v63  }
0xb9: {  	v3 =	vor.u32 v3, v4  }
0xba: {  	v3 =	vperm.xlane v3, v0;
	_ =	sdelay $0x1  }
0xbb: {  	v3 =	vadd.s32 v1, v3;
	_ =	sdelay $0x3  }
0xbc: {  	s8 =	simm.s32 $0x10080  }
0xbd: {  	[tilespmem:s8], [sflag:$0x1] =	stream.indirect_vreg.gather [hbm4b:s1+s3], $0x80, v3, vm0, $0xb8;
	[tilespmem:$0x12080] =	vst v63  }
0xbe: {  	s8 =	simm.s32 $0x10880  }
0xbf: {  	[tilespmem:s8], [sflag:$0x1] =	stream.indirect_vreg.gather [hbm4b:s5+s3], $0x80, v3, vm0, $0xb8;
	[tilespmem:$0x12080] =	vst v63  }
0xc0: {  	s8 =	simm.s32 $0x11080  }
0xc1: {  	[tilespmem:s8], [sflag:$0x1] =	stream.indirect_vreg.gather [hbm4b:s6+s3], $0x80, v3, vm0, $0xb8;
	[tilespmem:$0x12080] =	vst v63  }
0xc2: {  	s8 =	simm.s32 $0x11880  }
0xc3: {  	[tilespmem:s8], [sflag:$0x1] =	stream.indirect_vreg.gather [hbm4b:s7+s3], $0x80, v3, vm0, $0xb8;
	[tilespmem:$0x12080] =	vst v63  }
0xc4: {  	_ =	swait.ge [sflag:s4], $0x12000  }
0xc5: {  	[sflag:s4] =	ssyncset.done $0x0  }
.Ltmp3:
0xc6: {  	[sflag:s4] =	ssyncadd.s32 $0xFFFEE000;
	(pc) =	sbr.rel .LBB2_4-.Ltmp3, $4  }
0xc7: {  	[hbm4b:s10+s3] =	stream.linear.scatter [tilespmem:s13], [sflag:$0x2], $0x12000, $0x38;
	[tilespmem:$0x12080] =	vst v63  }
0xc8: {  	_ =	swait.ge [sflag:s12], $0x12000  }
0xc9: {  	[sflag:s12] =	ssyncset.done $0x0  }
0xca: {  	[sflag:s12] =	ssyncadd.s32 $0xFFFEE000  }
.LBB2_5:
0xcb: {  	_ =	sfence.sel $0x180000  }
0xcc: {  	[bflag:$0x0] =	sbarrier.arrive $0xFFFF  }
0xcd: {  	_ =	strace $0x90000047  }
0xce: {  	s0 =	stileid.u32;
	[bflag:$0x2] =	sbarrier.arrive $0xFFFF  }
0xcf: {  	p0 =	sne.s32 s0, $0x0;
	s0 =	rddreg [dreg:$0x3]  }
0xd0: {  	s0 =	sadd.s32 @!p0 $0x100000, s0  }
0xd1: {  	[sflag:s0] =	ssyncadd.tile.s32 @!p0 $0x1;
	_ =	shalt  }
.Lfunc_end2:
_tile_overlayer_lowered:
.L_overlay_start_2:
0xd2: {  	(tag) =	ssettag $0x2  }
0xd3: {  	s0 =	rddreg [dreg:$0x0];
	s2 =	stileid.u32  }
0xd4: {  	s1 =	rddreg [dreg:$0x1];
	p0 =	sne.s32 s2, $0x0  }
0xd5: {  	s3 =	rddreg [dreg:$0x2];
	[bflag:$0x3] =	sbarrier.arrive $0xFFFF;
	s2 =	simm.s32 @!p0 $0x1C02  }
0xd6: {  	[timem:s3], [sflag:s2] =	dma.local @!p0 [hbm:s0], s1  }
0xd7: {  	s0 =	simm.s32 @!p0 $0x2  }
0xd8: {  	_ =	swait.ge @!p0 [sflag:s0], s1  }
0xd9: {  	s1 =	ssub.s32 @!p0 $0x0, s1;
	[sflag:s0] =	ssyncset.done @!p0 $0x0  }
0xda: {  	[sflag:s0] =	ssyncadd.s32 @!p0 s1  }
0xdb: {  	[bflag:$0x3] =	sbarrier.arrive $0xFFFF  }
0xdc: {  	_ =	shalt  }

</sc_bundles>
